<compile_context>
chip_gen: v7x
topology: tpu7x:2x2x1
jax: 0.10.2.dev20260603
libtpu: 0.0.44.dev20260713+nightly
codegen_flags: <defaults>
</compile_context>

<pallas_src>
import functools

import jax
import jax.numpy as jnp
from jax import lax
from jax.experimental import pallas as pl
from jax.experimental.pallas import tpu as pltpu
from jax.experimental.pallas import tpu_sc as plsc

C = 9
TOTAL = 16 * 2048
NC, NS, L = 2, 16, 16
NW = NC * NS
RPW = TOTAL // NW
NG = RPW // L

_LN2 = 0.6931471805599453
_LN_POLY = (
    -0.006151545067440741, 0.01024394858737874, -0.014338309622245023,
    0.02596728452889429, -0.049409622681556215, 0.09879175632379983,
    -0.22222136804592243, 0.6666661659415327, 0.4054651037918593,
)


def _ln(s):
    bits = lax.bitcast_convert_type(s, jnp.int32)
    e = lax.shift_right_arithmetic(bits, 23) - 127
    m = lax.bitcast_convert_type((bits & 0x007FFFFF) | 0x3F800000, jnp.float32)
    u = m - 1.5
    p = _LN_POLY[0]
    for c in _LN_POLY[1:]:
        p = p * u + c
    return e.astype(jnp.float32) * _LN2 + p


@functools.partial(
    pl.kernel,
    out_type=jax.ShapeDtypeStruct((NW, L), jnp.float32),
    mesh=plsc.VectorSubcoreMesh(
        core_axis_name="c", subcore_axis_name="s", num_cores=NC, num_subcores=NS
    ),
    scratch_types=[
        pltpu.VMEM((RPW * C,), jnp.float32),
        pltpu.VMEM((RPW,), jnp.int32),
        pltpu.VMEM((RPW,), jnp.float32),
        pltpu.VMEM((L,), jnp.float32),
        pltpu.VMEM((L,), jnp.float32),
        pltpu.SemaphoreType.DMA,
    ],
)
def _focal_partials(x_hbm, tgt_hbm, msk_hbm, alpha_hbm, out_hbm,
                    x_v, tgt_v, msk_v, alpha_v, out_v, dma_sem):
    wid = lax.axis_index("s") * NC + lax.axis_index("c")
    copies = [
        pltpu.async_copy(
            x_hbm.at[pl.ds((c * NW + wid) * RPW, RPW)],
            x_v.at[pl.ds(c * RPW, RPW)],
            dma_sem,
        )
        for c in range(C)
    ] + [
        pltpu.async_copy(tgt_hbm.at[pl.ds(wid * RPW, RPW)], tgt_v, dma_sem),
        pltpu.async_copy(msk_hbm.at[pl.ds(wid * RPW, RPW)], msk_v, dma_sem),
        pltpu.async_copy(alpha_hbm, alpha_v.at[pl.ds(0, C)], dma_sem),
    ]
    for cp in copies:
        cp.wait()

    lanes = lax.iota(jnp.int32, L)
    va = alpha_v[pl.ds(0, L)]
    av = [jnp.broadcast_to(va[c], (L,)) for c in range(C)]

    def body(g, carry):
        num, den = carry
        off = g * L
        tgt = tgt_v[pl.ds(off, L)]
        w = jnp.where(msk_v[pl.ds(off, L)] == 1.0, 1.0, 0.0)
        vs = [x_v[pl.ds(c * RPW + off, L)] for c in range(C)]
        mx = vs[0]
        for v in vs[1:]:
            mx = jnp.maximum(mx, v)
        es = [jnp.exp(v - mx) for v in vs]
        s = es[0]
        for e in es[1:]:
            s = s + e
        zero = jnp.zeros((L,), jnp.float32)
        x_t, a_t = zero, zero
        for c in range(C):
            hit = tgt == c
            x_t = x_t + jnp.where(hit, vs[c], 0.0)
            a_t = a_t + jnp.where(hit, av[c], 0.0)
        d = x_t - mx
        om = (s - jnp.exp(d)) * (1.0 / s)
        return num + a_t * om * om * (_ln(s) - d) * w, den + w

    zero = jnp.zeros((L,), jnp.float32)
    num, den = plsc.parallel_loop(0, NG, step=1, unroll=8, carry=(zero, zero))(
        lambda g, carry: body(g, carry)
    )
    num_s, den_s = num[0], den[0]
    for i in range(1, L):
        num_s = num_s + num[i]
        den_s = den_s + den[i]
    out_v[...] = jnp.where(lanes == 0, num_s, jnp.where(lanes == 1, den_s, 0.0))
    pltpu.sync_copy(out_v, out_hbm.at[wid])


def kernel(inputs, attention_mask, targets, alpha):
    x = (inputs.transpose(2, 0, 1)
         .reshape(C, 2, 8, 16, 128)
         .transpose(0, 1, 3, 2, 4)
         .reshape(-1))
    tgt = (targets.reshape(2, 8, 16, 128).transpose(0, 2, 1, 3)
           .reshape(-1).astype(jnp.int32))
    msk = (attention_mask.reshape(2, 8, 16, 128).transpose(0, 2, 1, 3)
           .reshape(-1))
    parts = _focal_partials(x, tgt, msk, alpha.reshape(C))
    return parts[:, 0].sum() / parts[:, 1].sum()

# --- scband reference (transcript-rebuilt; emitter-appended) ---
"""Pipeline reference for scband-ner-focal-loss-63342177681686 (READ-ONLY COPY).

The authoritative reference and input builder live on the scoring server;
editing this copy changes nothing except your own understanding.
"""

import jax, jax.numpy as jnp
import numpy as np

CLASS_NUM = 9
GAMMA = 2


def setup_inputs(seed: int = 0) -> dict:
    key = jax.random.key(seed)
    k1, k2 = jax.random.split(key)
    inputs = jax.random.normal(k1, (16, 2048, CLASS_NUM), dtype=jnp.float32)
    attention_mask = jnp.ones((16, 2048), dtype=jnp.float32)
    targets = jax.random.randint(k2, (16, 2048), 0, CLASS_NUM).astype(jnp.int64)
    alpha = jnp.ones((CLASS_NUM, 1), dtype=jnp.float32)
    return {"inputs": inputs, "attention_mask": attention_mask, "targets": targets, "alpha": alpha}


def reference(inputs, attention_mask, targets, alpha):
    B, S, C = inputs.shape
    total = B * S
    active = (attention_mask == 1).reshape(-1).astype(inputs.dtype)
    inp = inputs.reshape(-1, C)
    tgt = targets.reshape(-1)
    p = jax.nn.softmax(inp, axis=-1)
    ids = tgt.reshape(total, 1).astype(jnp.int32)
    # scatter-overwrite: class_mask[i, ids[i]] = 1.0
    class_mask = jnp.zeros((total, C), dtype=inp.dtype).at[jnp.arange(total), ids[:, 0]].set(1.0)
    alpha_sel = jnp.take(alpha, ids[:, 0], axis=0)  # gather rows of alpha -> [total, 1]
    probs = (p * class_mask).sum(axis=1).reshape(-1, 1)
    log_p = jnp.log(probs)
    batch_loss = -alpha_sel * jnp.power(1.0 - probs, GAMMA) * log_p
    weights = active.reshape(-1, 1)
    loss = (batch_loss * weights).sum() / weights.sum()
    return loss

if __name__ == "__main__":
    import jax
    _d = setup_inputs()
    print(jax.jit(kernel)(*tuple(_d.values())))

</pallas_src>

<mosaic_0001>
#map = affine_map<(d0, d1) -> (0)>
#map1 = affine_map<(d0, d1) -> (0, 0)>
module attributes {stable_mosaic.version = 14 : i64} {
  func.func @_focal_partials(%arg0: i32, %arg1: i32, %arg2: memref<294912xf32, #tpu.memory_space<hbm>>, %arg3: memref<32768xi32, #tpu.memory_space<hbm>>, %arg4: memref<32768xf32, #tpu.memory_space<hbm>>, %arg5: memref<9xf32, #tpu.memory_space<hbm>>, %arg6: memref<32x16xf32, #tpu.memory_space<hbm>>, %arg7: memref<9216xf32, #tpu.memory_space<vmem>>, %arg8: memref<1024xi32, #tpu.memory_space<vmem>>, %arg9: memref<1024xf32, #tpu.memory_space<vmem>>, %arg10: memref<16xf32, #tpu.memory_space<vmem>>, %arg11: memref<16xf32, #tpu.memory_space<vmem>>, %arg12: memref<!tpu.dma_semaphore, #tpu.memory_space<semaphore_mem>>) attributes {dimension_semantics = [#tpu.dimension_semantics<core_parallel>, #tpu.dimension_semantics<subcore_parallel>], iteration_bounds = array<i64: 2, 16>, scalar_prefetch = 0 : i64, scratch_operands = 6 : i64, tpu.core_type = #tpu.core_type<sc_vector_subcore>, window_params = [{transform_indices = #map}, {transform_indices = #map}, {transform_indices = #map}, {transform_indices = #map}, {transform_indices = #map1}]} {
    %mul3A = arith.constant 2 : i32
    %mul3A_0 = arith.muli %arg1, %mul3A : i32
    %add3A = arith.addi %mul3A_0, %arg0 : i32
    %add3A_1 = arith.constant 0 : i32
    %add3A_2 = arith.addi %add3A_1, %add3A : i32
    %mul3A_3 = arith.constant 1024 : i32
    %mul3A_4 = arith.muli %add3A_2, %mul3A_3 : i32
    %dma_start3A = arith.constant 0 : i32
    %dma_start3A_5 = tpu.memref_slice %arg7[%dma_start3A] : memref<9216xf32, #tpu.memory_space<vmem>> -> memref<1024xf32, #tpu.memory_space<vmem>>
    %dma_start3A_6 = tpu.memref_slice %arg2[%mul3A_4] : memref<294912xf32, #tpu.memory_space<hbm>> -> memref<1024xf32, #tpu.memory_space<hbm>>
    %dma_start3A_7 = arith.constant 0 : i32
    %dma_start3A_8 = tpu.memref_slice %arg7[%dma_start3A_7] : memref<9216xf32, #tpu.memory_space<vmem>> -> memref<1024xf32, #tpu.memory_space<vmem>>
    %dma_start3A_9 = tpu.memref_slice %arg2[%mul3A_4] : memref<294912xf32, #tpu.memory_space<hbm>> -> memref<1024xf32, #tpu.memory_space<hbm>>
    tpu.enqueue_dma source(%dma_start3A_9 : memref<1024xf32, #tpu.memory_space<hbm>>) target(%dma_start3A_8 : memref<1024xf32, #tpu.memory_space<vmem>>) target_semaphore(%arg12 : memref<!tpu.dma_semaphore, #tpu.memory_space<semaphore_mem>>)
    %add3A_10 = arith.constant 32 : i32
    %add3A_11 = arith.addi %add3A_10, %add3A : i32
    %mul3A_12 = arith.constant 1024 : i32
    %mul3A_13 = arith.muli %add3A_11, %mul3A_12 : i32
    %dma_start3A_14 = arith.constant 1024 : i32
    %dma_start3A_15 = tpu.memref_slice %arg7[%dma_start3A_14] : memref<9216xf32, #tpu.memory_space<vmem>> -> memref<1024xf32, #tpu.memory_space<vmem>>
    %dma_start3A_16 = tpu.memref_slice %arg2[%mul3A_13] : memref<294912xf32, #tpu.memory_space<hbm>> -> memref<1024xf32, #tpu.memory_space<hbm>>
    %dma_start3A_17 = arith.constant 1024 : i32
    %dma_start3A_18 = tpu.memref_slice %arg7[%dma_start3A_17] : memref<9216xf32, #tpu.memory_space<vmem>> -> memref<1024xf32, #tpu.memory_space<vmem>>
    %dma_start3A_19 = tpu.memref_slice %arg2[%mul3A_13] : memref<294912xf32, #tpu.memory_space<hbm>> -> memref<1024xf32, #tpu.memory_space<hbm>>
    tpu.enqueue_dma source(%dma_start3A_19 : memref<1024xf32, #tpu.memory_space<hbm>>) target(%dma_start3A_18 : memref<1024xf32, #tpu.memory_space<vmem>>) target_semaphore(%arg12 : memref<!tpu.dma_semaphore, #tpu.memory_space<semaphore_mem>>)
    %add3A_20 = arith.constant 64 : i32
    %add3A_21 = arith.addi %add3A_20, %add3A : i32
    %mul3A_22 = arith.constant 1024 : i32
    %mul3A_23 = arith.muli %add3A_21, %mul3A_22 : i32
    %dma_start3A_24 = arith.constant 2048 : i32
    %dma_start3A_25 = tpu.memref_slice %arg7[%dma_start3A_24] : memref<9216xf32, #tpu.memory_space<vmem>> -> memref<1024xf32, #tpu.memory_space<vmem>>
    %dma_start3A_26 = tpu.memref_slice %arg2[%mul3A_23] : memref<294912xf32, #tpu.memory_space<hbm>> -> memref<1024xf32, #tpu.memory_space<hbm>>
    %dma_start3A_27 = arith.constant 2048 : i32
    %dma_start3A_28 = tpu.memref_slice %arg7[%dma_start3A_27] : memref<9216xf32, #tpu.memory_space<vmem>> -> memref<1024xf32, #tpu.memory_space<vmem>>
    %dma_start3A_29 = tpu.memref_slice %arg2[%mul3A_23] : memref<294912xf32, #tpu.memory_space<hbm>> -> memref<1024xf32, #tpu.memory_space<hbm>>
    tpu.enqueue_dma source(%dma_start3A_29 : memref<1024xf32, #tpu.memory_space<hbm>>) target(%dma_start3A_28 : memref<1024xf32, #tpu.memory_space<vmem>>) target_semaphore(%arg12 : memref<!tpu.dma_semaphore, #tpu.memory_space<semaphore_mem>>)
    %add3A_30 = arith.constant 96 : i32
    %add3A_31 = arith.addi %add3A_30, %add3A : i32
    %mul3A_32 = arith.constant 1024 : i32
    %mul3A_33 = arith.muli %add3A_31, %mul3A_32 : i32
    %dma_start3A_34 = arith.constant 3072 : i32
    %dma_start3A_35 = tpu.memref_slice %arg7[%dma_start3A_34] : memref<9216xf32, #tpu.memory_space<vmem>> -> memref<1024xf32, #tpu.memory_space<vmem>>
    %dma_start3A_36 = tpu.memref_slice %arg2[%mul3A_33] : memref<294912xf32, #tpu.memory_space<hbm>> -> memref<1024xf32, #tpu.memory_space<hbm>>
    %dma_start3A_37 = arith.constant 3072 : i32
    %dma_start3A_38 = tpu.memref_slice %arg7[%dma_start3A_37] : memref<9216xf32, #tpu.memory_space<vmem>> -> memref<1024xf32, #tpu.memory_space<vmem>>
    %dma_start3A_39 = tpu.memref_slice %arg2[%mul3A_33] : memref<294912xf32, #tpu.memory_space<hbm>> -> memref<1024xf32, #tpu.memory_space<hbm>>
    tpu.enqueue_dma source(%dma_start3A_39 : memref<1024xf32, #tpu.memory_space<hbm>>) target(%dma_start3A_38 : memref<1024xf32, #tpu.memory_space<vmem>>) target_semaphore(%arg12 : memref<!tpu.dma_semaphore, #tpu.memory_space<semaphore_mem>>)
    %add3A_40 = arith.constant 128 : i32
    %add3A_41 = arith.addi %add3A_40, %add3A : i32
    %mul3A_42 = arith.constant 1024 : i32
    %mul3A_43 = arith.muli %add3A_41, %mul3A_42 : i32
    %dma_start3A_44 = arith.constant 4096 : i32
    %dma_start3A_45 = tpu.memref_slice %arg7[%dma_start3A_44] : memref<9216xf32, #tpu.memory_space<vmem>> -> memref<1024xf32, #tpu.memory_space<vmem>>
    %dma_start3A_46 = tpu.memref_slice %arg2[%mul3A_43] : memref<294912xf32, #tpu.memory_space<hbm>> -> memref<1024xf32, #tpu.memory_space<hbm>>
    %dma_start3A_47 = arith.constant 4096 : i32
    %dma_start3A_48 = tpu.memref_slice %arg7[%dma_start3A_47] : memref<9216xf32, #tpu.memory_space<vmem>> -> memref<1024xf32, #tpu.memory_space<vmem>>
    %dma_start3A_49 = tpu.memref_slice %arg2[%mul3A_43] : memref<294912xf32, #tpu.memory_space<hbm>> -> memref<1024xf32, #tpu.memory_space<hbm>>
    tpu.enqueue_dma source(%dma_start3A_49 : memref<1024xf32, #tpu.memory_space<hbm>>) target(%dma_start3A_48 : memref<1024xf32, #tpu.memory_space<vmem>>) target_semaphore(%arg12 : memref<!tpu.dma_semaphore, #tpu.memory_space<semaphore_mem>>)
    %add3A_50 = arith.constant 160 : i32
    %add3A_51 = arith.addi %add3A_50, %add3A : i32
    %mul3A_52 = arith.constant 1024 : i32
    %mul3A_53 = arith.muli %add3A_51, %mul3A_52 : i32
    %dma_start3A_54 = arith.constant 5120 : i32
    %dma_start3A_55 = tpu.memref_slice %arg7[%dma_start3A_54] : memref<9216xf32, #tpu.memory_space<vmem>> -> memref<1024xf32, #tpu.memory_space<vmem>>
    %dma_start3A_56 = tpu.memref_slice %arg2[%mul3A_53] : memref<294912xf32, #tpu.memory_space<hbm>> -> memref<1024xf32, #tpu.memory_space<hbm>>
    %dma_start3A_57 = arith.constant 5120 : i32
    %dma_start3A_58 = tpu.memref_slice %arg7[%dma_start3A_57] : memref<9216xf32, #tpu.memory_space<vmem>> -> memref<1024xf32, #tpu.memory_space<vmem>>
    %dma_start3A_59 = tpu.memref_slice %arg2[%mul3A_53] : memref<294912xf32, #tpu.memory_space<hbm>> -> memref<1024xf32, #tpu.memory_space<hbm>>
    tpu.enqueue_dma source(%dma_start3A_59 : memref<1024xf32, #tpu.memory_space<hbm>>) target(%dma_start3A_58 : memref<1024xf32, #tpu.memory_space<vmem>>) target_semaphore(%arg12 : memref<!tpu.dma_semaphore, #tpu.memory_space<semaphore_mem>>)
    %add3A_60 = arith.constant 192 : i32
    %add3A_61 = arith.addi %add3A_60, %add3A : i32
    %mul3A_62 = arith.constant 1024 : i32
    %mul3A_63 = arith.muli %add3A_61, %mul3A_62 : i32
    %dma_start3A_64 = arith.constant 6144 : i32
    %dma_start3A_65 = tpu.memref_slice %arg7[%dma_start3A_64] : memref<9216xf32, #tpu.memory_space<vmem>> -> memref<1024xf32, #tpu.memory_space<vmem>>
    %dma_start3A_66 = tpu.memref_slice %arg2[%mul3A_63] : memref<294912xf32, #tpu.memory_space<hbm>> -> memref<1024xf32, #tpu.memory_space<hbm>>
    %dma_start3A_67 = arith.constant 6144 : i32
    %dma_start3A_68 = tpu.memref_slice %arg7[%dma_start3A_67] : memref<9216xf32, #tpu.memory_space<vmem>> -> memref<1024xf32, #tpu.memory_space<vmem>>
    %dma_start3A_69 = tpu.memref_slice %arg2[%mul3A_63] : memref<294912xf32, #tpu.memory_space<hbm>> -> memref<1024xf32, #tpu.memory_space<hbm>>
    tpu.enqueue_dma source(%dma_start3A_69 : memref<1024xf32, #tpu.memory_space<hbm>>) target(%dma_start3A_68 : memref<1024xf32, #tpu.memory_space<vmem>>) target_semaphore(%arg12 : memref<!tpu.dma_semaphore, #tpu.memory_space<semaphore_mem>>)
    %add3A_70 = arith.constant 224 : i32
    %add3A_71 = arith.addi %add3A_70, %add3A : i32
    %mul3A_72 = arith.constant 1024 : i32
    %mul3A_73 = arith.muli %add3A_71, %mul3A_72 : i32
    %dma_start3A_74 = arith.constant 7168 : i32
    %dma_start3A_75 = tpu.memref_slice %arg7[%dma_start3A_74] : memref<9216xf32, #tpu.memory_space<vmem>> -> memref<1024xf32, #tpu.memory_space<vmem>>
    %dma_start3A_76 = tpu.memref_slice %arg2[%mul3A_73] : memref<294912xf32, #tpu.memory_space<hbm>> -> memref<1024xf32, #tpu.memory_space<hbm>>
    %dma_start3A_77 = arith.constant 7168 : i32
    %dma_start3A_78 = tpu.memref_slice %arg7[%dma_start3A_77] : memref<9216xf32, #tpu.memory_space<vmem>> -> memref<1024xf32, #tpu.memory_space<vmem>>
    %dma_start3A_79 = tpu.memref_slice %arg2[%mul3A_73] : memref<294912xf32, #tpu.memory_space<hbm>> -> memref<1024xf32, #tpu.memory_space<hbm>>
    tpu.enqueue_dma source(%dma_start3A_79 : memref<1024xf32, #tpu.memory_space<hbm>>) target(%dma_start3A_78 : memref<1024xf32, #tpu.memory_space<vmem>>) target_semaphore(%arg12 : memref<!tpu.dma_semaphore, #tpu.memory_space<semaphore_mem>>)
    %add3A_80 = arith.constant 256 : i32
    %add3A_81 = arith.addi %add3A_80, %add3A : i32
    %mul3A_82 = arith.constant 1024 : i32
    %mul3A_83 = arith.muli %add3A_81, %mul3A_82 : i32
    %dma_start3A_84 = arith.constant 8192 : i32
    %dma_start3A_85 = tpu.memref_slice %arg7[%dma_start3A_84] : memref<9216xf32, #tpu.memory_space<vmem>> -> memref<1024xf32, #tpu.memory_space<vmem>>
    %dma_start3A_86 = tpu.memref_slice %arg2[%mul3A_83] : memref<294912xf32, #tpu.memory_space<hbm>> -> memref<1024xf32, #tpu.memory_space<hbm>>
    %dma_start3A_87 = arith.constant 8192 : i32
    %dma_start3A_88 = tpu.memref_slice %arg7[%dma_start3A_87] : memref<9216xf32, #tpu.memory_space<vmem>> -> memref<1024xf32, #tpu.memory_space<vmem>>
    %dma_start3A_89 = tpu.memref_slice %arg2[%mul3A_83] : memref<294912xf32, #tpu.memory_space<hbm>> -> memref<1024xf32, #tpu.memory_space<hbm>>
    tpu.enqueue_dma source(%dma_start3A_89 : memref<1024xf32, #tpu.memory_space<hbm>>) target(%dma_start3A_88 : memref<1024xf32, #tpu.memory_space<vmem>>) target_semaphore(%arg12 : memref<!tpu.dma_semaphore, #tpu.memory_space<semaphore_mem>>)
    %mul3A_90 = arith.constant 1024 : i32
    %mul3A_91 = arith.muli %add3A, %mul3A_90 : i32
    %dma_start3A_92 = tpu.memref_slice %arg3[%mul3A_91] : memref<32768xi32, #tpu.memory_space<hbm>> -> memref<1024xi32, #tpu.memory_space<hbm>>
    %dma_start3A_93 = tpu.memref_slice %arg3[%mul3A_91] : memref<32768xi32, #tpu.memory_space<hbm>> -> memref<1024xi32, #tpu.memory_space<hbm>>
    tpu.enqueue_dma source(%dma_start3A_93 : memref<1024xi32, #tpu.memory_space<hbm>>) target(%arg8 : memref<1024xi32, #tpu.memory_space<vmem>>) target_semaphore(%arg12 : memref<!tpu.dma_semaphore, #tpu.memory_space<semaphore_mem>>)
    %mul3A_94 = arith.constant 1024 : i32
    %mul3A_95 = arith.muli %add3A, %mul3A_94 : i32
    %dma_start3A_96 = tpu.memref_slice %arg4[%mul3A_95] : memref<32768xf32, #tpu.memory_space<hbm>> -> memref<1024xf32, #tpu.memory_space<hbm>>
    %dma_start3A_97 = tpu.memref_slice %arg4[%mul3A_95] : memref<32768xf32, #tpu.memory_space<hbm>> -> memref<1024xf32, #tpu.memory_space<hbm>>
    tpu.enqueue_dma source(%dma_start3A_97 : memref<1024xf32, #tpu.memory_space<hbm>>) target(%arg9 : memref<1024xf32, #tpu.memory_space<vmem>>) target_semaphore(%arg12 : memref<!tpu.dma_semaphore, #tpu.memory_space<semaphore_mem>>)
    %dma_start3A_98 = arith.constant 0 : i32
    %dma_start3A_99 = tpu.memref_slice %arg10[%dma_start3A_98] : memref<16xf32, #tpu.memory_space<vmem>> -> memref<9xf32, #tpu.memory_space<vmem>>
    %dma_start3A_100 = arith.constant 0 : i32
    %dma_start3A_101 = tpu.memref_slice %arg10[%dma_start3A_100] : memref<16xf32, #tpu.memory_space<vmem>> -> memref<9xf32, #tpu.memory_space<vmem>>
    tpu.enqueue_dma source(%arg5 : memref<9xf32, #tpu.memory_space<hbm>>) target(%dma_start3A_101 : memref<9xf32, #tpu.memory_space<vmem>>) target_semaphore(%arg12 : memref<!tpu.dma_semaphore, #tpu.memory_space<semaphore_mem>>)
    %dma_wait3A = arith.constant 0 : i32
    %dma_wait3A_102 = tpu.memref_slice %arg7[%dma_wait3A] : memref<9216xf32, #tpu.memory_space<vmem>> -> memref<1024xf32, #tpu.memory_space<vmem>>
    %dma_wait3A_103 = tpu.memref_slice %arg2[%mul3A_4] : memref<294912xf32, #tpu.memory_space<hbm>> -> memref<1024xf32, #tpu.memory_space<hbm>>
    %dma_wait3A_104 = arith.constant 0 : i32
    %dma_wait3A_105 = tpu.memref_slice %arg7[%dma_wait3A_104] : memref<9216xf32, #tpu.memory_space<vmem>> -> memref<1024xf32, #tpu.memory_space<vmem>>
    %dma_wait3A_106 = tpu.memref_slice %arg2[%mul3A_4] : memref<294912xf32, #tpu.memory_space<hbm>> -> memref<1024xf32, #tpu.memory_space<hbm>>
    tpu.wait_dma2 semaphore(%arg12 : memref<!tpu.dma_semaphore, #tpu.memory_space<semaphore_mem>>) src(%dma_wait3A_106 : memref<1024xf32, #tpu.memory_space<hbm>>) dst(%dma_wait3A_105 : memref<1024xf32, #tpu.memory_space<vmem>>)
    %dma_wait3A_107 = arith.constant 1024 : i32
    %dma_wait3A_108 = tpu.memref_slice %arg7[%dma_wait3A_107] : memref<9216xf32, #tpu.memory_space<vmem>> -> memref<1024xf32, #tpu.memory_space<vmem>>
    %dma_wait3A_109 = tpu.memref_slice %arg2[%mul3A_13] : memref<294912xf32, #tpu.memory_space<hbm>> -> memref<1024xf32, #tpu.memory_space<hbm>>
    %dma_wait3A_110 = arith.constant 1024 : i32
    %dma_wait3A_111 = tpu.memref_slice %arg7[%dma_wait3A_110] : memref<9216xf32, #tpu.memory_space<vmem>> -> memref<1024xf32, #tpu.memory_space<vmem>>
    %dma_wait3A_112 = tpu.memref_slice %arg2[%mul3A_13] : memref<294912xf32, #tpu.memory_space<hbm>> -> memref<1024xf32, #tpu.memory_space<hbm>>
    tpu.wait_dma2 semaphore(%arg12 : memref<!tpu.dma_semaphore, #tpu.memory_space<semaphore_mem>>) src(%dma_wait3A_112 : memref<1024xf32, #tpu.memory_space<hbm>>) dst(%dma_wait3A_111 : memref<1024xf32, #tpu.memory_space<vmem>>)
    %dma_wait3A_113 = arith.constant 2048 : i32
    %dma_wait3A_114 = tpu.memref_slice %arg7[%dma_wait3A_113] : memref<9216xf32, #tpu.memory_space<vmem>> -> memref<1024xf32, #tpu.memory_space<vmem>>
    %dma_wait3A_115 = tpu.memref_slice %arg2[%mul3A_23] : memref<294912xf32, #tpu.memory_space<hbm>> -> memref<1024xf32, #tpu.memory_space<hbm>>
    %dma_wait3A_116 = arith.constant 2048 : i32
    %dma_wait3A_117 = tpu.memref_slice %arg7[%dma_wait3A_116] : memref<9216xf32, #tpu.memory_space<vmem>> -> memref<1024xf32, #tpu.memory_space<vmem>>
    %dma_wait3A_118 = tpu.memref_slice %arg2[%mul3A_23] : memref<294912xf32, #tpu.memory_space<hbm>> -> memref<1024xf32, #tpu.memory_space<hbm>>
    tpu.wait_dma2 semaphore(%arg12 : memref<!tpu.dma_semaphore, #tpu.memory_space<semaphore_mem>>) src(%dma_wait3A_118 : memref<1024xf32, #tpu.memory_space<hbm>>) dst(%dma_wait3A_117 : memref<1024xf32, #tpu.memory_space<vmem>>)
    %dma_wait3A_119 = arith.constant 3072 : i32
    %dma_wait3A_120 = tpu.memref_slice %arg7[%dma_wait3A_119] : memref<9216xf32, #tpu.memory_space<vmem>> -> memref<1024xf32, #tpu.memory_space<vmem>>
    %dma_wait3A_121 = tpu.memref_slice %arg2[%mul3A_33] : memref<294912xf32, #tpu.memory_space<hbm>> -> memref<1024xf32, #tpu.memory_space<hbm>>
    %dma_wait3A_122 = arith.constant 3072 : i32
    %dma_wait3A_123 = tpu.memref_slice %arg7[%dma_wait3A_122] : memref<9216xf32, #tpu.memory_space<vmem>> -> memref<1024xf32, #tpu.memory_space<vmem>>
    %dma_wait3A_124 = tpu.memref_slice %arg2[%mul3A_33] : memref<294912xf32, #tpu.memory_space<hbm>> -> memref<1024xf32, #tpu.memory_space<hbm>>
    tpu.wait_dma2 semaphore(%arg12 : memref<!tpu.dma_semaphore, #tpu.memory_space<semaphore_mem>>) src(%dma_wait3A_124 : memref<1024xf32, #tpu.memory_space<hbm>>) dst(%dma_wait3A_123 : memref<1024xf32, #tpu.memory_space<vmem>>)
    %dma_wait3A_125 = arith.constant 4096 : i32
    %dma_wait3A_126 = tpu.memref_slice %arg7[%dma_wait3A_125] : memref<9216xf32, #tpu.memory_space<vmem>> -> memref<1024xf32, #tpu.memory_space<vmem>>
    %dma_wait3A_127 = tpu.memref_slice %arg2[%mul3A_43] : memref<294912xf32, #tpu.memory_space<hbm>> -> memref<1024xf32, #tpu.memory_space<hbm>>
    %dma_wait3A_128 = arith.constant 4096 : i32
    %dma_wait3A_129 = tpu.memref_slice %arg7[%dma_wait3A_128] : memref<9216xf32, #tpu.memory_space<vmem>> -> memref<1024xf32, #tpu.memory_space<vmem>>
    %dma_wait3A_130 = tpu.memref_slice %arg2[%mul3A_43] : memref<294912xf32, #tpu.memory_space<hbm>> -> memref<1024xf32, #tpu.memory_space<hbm>>
    tpu.wait_dma2 semaphore(%arg12 : memref<!tpu.dma_semaphore, #tpu.memory_space<semaphore_mem>>) src(%dma_wait3A_130 : memref<1024xf32, #tpu.memory_space<hbm>>) dst(%dma_wait3A_129 : memref<1024xf32, #tpu.memory_space<vmem>>)
    %dma_wait3A_131 = arith.constant 5120 : i32
    %dma_wait3A_132 = tpu.memref_slice %arg7[%dma_wait3A_131] : memref<9216xf32, #tpu.memory_space<vmem>> -> memref<1024xf32, #tpu.memory_space<vmem>>
    %dma_wait3A_133 = tpu.memref_slice %arg2[%mul3A_53] : memref<294912xf32, #tpu.memory_space<hbm>> -> memref<1024xf32, #tpu.memory_space<hbm>>
    %dma_wait3A_134 = arith.constant 5120 : i32
    %dma_wait3A_135 = tpu.memref_slice %arg7[%dma_wait3A_134] : memref<9216xf32, #tpu.memory_space<vmem>> -> memref<1024xf32, #tpu.memory_space<vmem>>
    %dma_wait3A_136 = tpu.memref_slice %arg2[%mul3A_53] : memref<294912xf32, #tpu.memory_space<hbm>> -> memref<1024xf32, #tpu.memory_space<hbm>>
    tpu.wait_dma2 semaphore(%arg12 : memref<!tpu.dma_semaphore, #tpu.memory_space<semaphore_mem>>) src(%dma_wait3A_136 : memref<1024xf32, #tpu.memory_space<hbm>>) dst(%dma_wait3A_135 : memref<1024xf32, #tpu.memory_space<vmem>>)
    %dma_wait3A_137 = arith.constant 6144 : i32
    %dma_wait3A_138 = tpu.memref_slice %arg7[%dma_wait3A_137] : memref<9216xf32, #tpu.memory_space<vmem>> -> memref<1024xf32, #tpu.memory_space<vmem>>
    %dma_wait3A_139 = tpu.memref_slice %arg2[%mul3A_63] : memref<294912xf32, #tpu.memory_space<hbm>> -> memref<1024xf32, #tpu.memory_space<hbm>>
    %dma_wait3A_140 = arith.constant 6144 : i32
    %dma_wait3A_141 = tpu.memref_slice %arg7[%dma_wait3A_140] : memref<9216xf32, #tpu.memory_space<vmem>> -> memref<1024xf32, #tpu.memory_space<vmem>>
    %dma_wait3A_142 = tpu.memref_slice %arg2[%mul3A_63] : memref<294912xf32, #tpu.memory_space<hbm>> -> memref<1024xf32, #tpu.memory_space<hbm>>
    tpu.wait_dma2 semaphore(%arg12 : memref<!tpu.dma_semaphore, #tpu.memory_space<semaphore_mem>>) src(%dma_wait3A_142 : memref<1024xf32, #tpu.memory_space<hbm>>) dst(%dma_wait3A_141 : memref<1024xf32, #tpu.memory_space<vmem>>)
    %dma_wait3A_143 = arith.constant 7168 : i32
    %dma_wait3A_144 = tpu.memref_slice %arg7[%dma_wait3A_143] : memref<9216xf32, #tpu.memory_space<vmem>> -> memref<1024xf32, #tpu.memory_space<vmem>>
    %dma_wait3A_145 = tpu.memref_slice %arg2[%mul3A_73] : memref<294912xf32, #tpu.memory_space<hbm>> -> memref<1024xf32, #tpu.memory_space<hbm>>
    %dma_wait3A_146 = arith.constant 7168 : i32
    %dma_wait3A_147 = tpu.memref_slice %arg7[%dma_wait3A_146] : memref<9216xf32, #tpu.memory_space<vmem>> -> memref<1024xf32, #tpu.memory_space<vmem>>
    %dma_wait3A_148 = tpu.memref_slice %arg2[%mul3A_73] : memref<294912xf32, #tpu.memory_space<hbm>> -> memref<1024xf32, #tpu.memory_space<hbm>>
    tpu.wait_dma2 semaphore(%arg12 : memref<!tpu.dma_semaphore, #tpu.memory_space<semaphore_mem>>) src(%dma_wait3A_148 : memref<1024xf32, #tpu.memory_space<hbm>>) dst(%dma_wait3A_147 : memref<1024xf32, #tpu.memory_space<vmem>>)
    %dma_wait3A_149 = arith.constant 8192 : i32
    %dma_wait3A_150 = tpu.memref_slice %arg7[%dma_wait3A_149] : memref<9216xf32, #tpu.memory_space<vmem>> -> memref<1024xf32, #tpu.memory_space<vmem>>
    %dma_wait3A_151 = tpu.memref_slice %arg2[%mul3A_83] : memref<294912xf32, #tpu.memory_space<hbm>> -> memref<1024xf32, #tpu.memory_space<hbm>>
    %dma_wait3A_152 = arith.constant 8192 : i32
    %dma_wait3A_153 = tpu.memref_slice %arg7[%dma_wait3A_152] : memref<9216xf32, #tpu.memory_space<vmem>> -> memref<1024xf32, #tpu.memory_space<vmem>>
    %dma_wait3A_154 = tpu.memref_slice %arg2[%mul3A_83] : memref<294912xf32, #tpu.memory_space<hbm>> -> memref<1024xf32, #tpu.memory_space<hbm>>
    tpu.wait_dma2 semaphore(%arg12 : memref<!tpu.dma_semaphore, #tpu.memory_space<semaphore_mem>>) src(%dma_wait3A_154 : memref<1024xf32, #tpu.memory_space<hbm>>) dst(%dma_wait3A_153 : memref<1024xf32, #tpu.memory_space<vmem>>)
    %dma_wait3A_155 = tpu.memref_slice %arg3[%mul3A_91] : memref<32768xi32, #tpu.memory_space<hbm>> -> memref<1024xi32, #tpu.memory_space<hbm>>
    %dma_wait3A_156 = tpu.memref_slice %arg3[%mul3A_91] : memref<32768xi32, #tpu.memory_space<hbm>> -> memref<1024xi32, #tpu.memory_space<hbm>>
    tpu.wait_dma2 semaphore(%arg12 : memref<!tpu.dma_semaphore, #tpu.memory_space<semaphore_mem>>) src(%dma_wait3A_156 : memref<1024xi32, #tpu.memory_space<hbm>>) dst(%arg8 : memref<1024xi32, #tpu.memory_space<vmem>>)
    %dma_wait3A_157 = tpu.memref_slice %arg4[%mul3A_95] : memref<32768xf32, #tpu.memory_space<hbm>> -> memref<1024xf32, #tpu.memory_space<hbm>>
    %dma_wait3A_158 = tpu.memref_slice %arg4[%mul3A_95] : memref<32768xf32, #tpu.memory_space<hbm>> -> memref<1024xf32, #tpu.memory_space<hbm>>
    tpu.wait_dma2 semaphore(%arg12 : memref<!tpu.dma_semaphore, #tpu.memory_space<semaphore_mem>>) src(%dma_wait3A_158 : memref<1024xf32, #tpu.memory_space<hbm>>) dst(%arg9 : memref<1024xf32, #tpu.memory_space<vmem>>)
    %dma_wait3A_159 = arith.constant 0 : i32
    %dma_wait3A_160 = tpu.memref_slice %arg10[%dma_wait3A_159] : memref<16xf32, #tpu.memory_space<vmem>> -> memref<9xf32, #tpu.memory_space<vmem>>
    %dma_wait3A_161 = arith.constant 0 : i32
    %dma_wait3A_162 = tpu.memref_slice %arg10[%dma_wait3A_161] : memref<16xf32, #tpu.memory_space<vmem>> -> memref<9xf32, #tpu.memory_space<vmem>>
    tpu.wait_dma2 semaphore(%arg12 : memref<!tpu.dma_semaphore, #tpu.memory_space<semaphore_mem>>) src(%arg5 : memref<9xf32, #tpu.memory_space<hbm>>) dst(%dma_wait3A_162 : memref<9xf32, #tpu.memory_space<vmem>>)
    %iota3A = tpu.iota {dimensions = array<i32: 0>} : vector<16xi32>
    %get3A = arith.constant 0 : index
    %get3A_163 = tpu.vector_load %arg10[%get3A] {strides = array<i32>} : memref<16xf32, #tpu.memory_space<vmem>>, vector<16xf32>,
    %get3A_164 = vector.shape_cast %get3A_163 : vector<16xf32> to vector<16xf32>
    %slice3A = vector.extract_strided_slice %get3A_164 {offsets = [0], sizes = [1], strides = [1]} : vector<16xf32> to vector<1xf32>
    %squeeze3A = vector.extract %slice3A[0] : f32 from vector<1xf32>
    %broadcast_in_dim3A = vector.broadcast %squeeze3A : f32 to vector<16xf32>
    %slice3A_165 = vector.extract_strided_slice %get3A_164 {offsets = [1], sizes = [1], strides = [1]} : vector<16xf32> to vector<1xf32>
    %squeeze3A_166 = vector.extract %slice3A_165[0] : f32 from vector<1xf32>
    %broadcast_in_dim3A_167 = vector.broadcast %squeeze3A_166 : f32 to vector<16xf32>
    %slice3A_168 = vector.extract_strided_slice %get3A_164 {offsets = [2], sizes = [1], strides = [1]} : vector<16xf32> to vector<1xf32>
    %squeeze3A_169 = vector.extract %slice3A_168[0] : f32 from vector<1xf32>
    %broadcast_in_dim3A_170 = vector.broadcast %squeeze3A_169 : f32 to vector<16xf32>
    %slice3A_171 = vector.extract_strided_slice %get3A_164 {offsets = [3], sizes = [1], strides = [1]} : vector<16xf32> to vector<1xf32>
    %squeeze3A_172 = vector.extract %slice3A_171[0] : f32 from vector<1xf32>
    %broadcast_in_dim3A_173 = vector.broadcast %squeeze3A_172 : f32 to vector<16xf32>
    %slice3A_174 = vector.extract_strided_slice %get3A_164 {offsets = [4], sizes = [1], strides = [1]} : vector<16xf32> to vector<1xf32>
    %squeeze3A_175 = vector.extract %slice3A_174[0] : f32 from vector<1xf32>
    %broadcast_in_dim3A_176 = vector.broadcast %squeeze3A_175 : f32 to vector<16xf32>
    %slice3A_177 = vector.extract_strided_slice %get3A_164 {offsets = [5], sizes = [1], strides = [1]} : vector<16xf32> to vector<1xf32>
    %squeeze3A_178 = vector.extract %slice3A_177[0] : f32 from vector<1xf32>
    %broadcast_in_dim3A_179 = vector.broadcast %squeeze3A_178 : f32 to vector<16xf32>
    %slice3A_180 = vector.extract_strided_slice %get3A_164 {offsets = [6], sizes = [1], strides = [1]} : vector<16xf32> to vector<1xf32>
    %squeeze3A_181 = vector.extract %slice3A_180[0] : f32 from vector<1xf32>
    %broadcast_in_dim3A_182 = vector.broadcast %squeeze3A_181 : f32 to vector<16xf32>
    %slice3A_183 = vector.extract_strided_slice %get3A_164 {offsets = [7], sizes = [1], strides = [1]} : vector<16xf32> to vector<1xf32>
    %squeeze3A_184 = vector.extract %slice3A_183[0] : f32 from vector<1xf32>
    %broadcast_in_dim3A_185 = vector.broadcast %squeeze3A_184 : f32 to vector<16xf32>
    %slice3A_186 = vector.extract_strided_slice %get3A_164 {offsets = [8], sizes = [1], strides = [1]} : vector<16xf32> to vector<1xf32>
    %squeeze3A_187 = vector.extract %slice3A_186[0] : f32 from vector<1xf32>
    %broadcast_in_dim3A_188 = vector.broadcast %squeeze3A_187 : f32 to vector<16xf32>
    %broadcast_in_dim3A_189 = arith.constant 0.000000e+00 : f32
    %broadcast_in_dim3A_190 = vector.broadcast %broadcast_in_dim3A_189 : f32 to vector<16xf32>
    %parallel_loop3A = arith.constant 0 : i32
    %parallel_loop3A_191 = arith.constant 64 : i32
    %parallel_loop3A_192 = arith.constant 1 : i32
    %parallel_loop3A_193:2 = scf.for %parallel_loop3A_300 = %parallel_loop3A to %parallel_loop3A_191 step %parallel_loop3A_192 iter_args(%parallel_loop3A_301 = %broadcast_in_dim3A_190, %parallel_loop3A_302 = %broadcast_in_dim3A_190) -> (vector<16xf32>, vector<16xf32>)  : i32 {
      %parallel_loop3A_303 = arith.constant 16 : i32
      %parallel_loop3A_304 = arith.muli %parallel_loop3A_300, %parallel_loop3A_303 : i32
      %parallel_loop3A_305 = arith.index_cast %parallel_loop3A_304 : i32 to index
      %parallel_loop3A_306 = tpu.vector_load %arg8[%parallel_loop3A_305] {strides = array<i32>} : memref<1024xi32, #tpu.memory_space<vmem>>, vector<16xi32>,
      %parallel_loop3A_307 = vector.shape_cast %parallel_loop3A_306 : vector<16xi32> to vector<16xi32>
      %parallel_loop3A_308 = arith.index_cast %parallel_loop3A_304 : i32 to index
      %parallel_loop3A_309 = tpu.vector_load %arg9[%parallel_loop3A_308] {strides = array<i32>} : memref<1024xf32, #tpu.memory_space<vmem>>, vector<16xf32>,
      %parallel_loop3A_310 = vector.shape_cast %parallel_loop3A_309 : vector<16xf32> to vector<16xf32>
      %parallel_loop3A_311 = arith.constant 1.000000e+00 : f32
      %parallel_loop3A_312 = vector.broadcast %parallel_loop3A_311 : f32 to vector<16xf32>
      %parallel_loop3A_313 = arith.cmpf oeq, %parallel_loop3A_310, %parallel_loop3A_312 : vector<16xf32>
      %parallel_loop3A_314 = arith.constant 1.000000e+00 : f32
      %parallel_loop3A_315 = arith.constant 0.000000e+00 : f32
      %parallel_loop3A_316 = vector.broadcast %parallel_loop3A_314 : f32 to vector<16xf32>
      %parallel_loop3A_317 = vector.broadcast %parallel_loop3A_315 : f32 to vector<16xf32>
      %parallel_loop3A_318 = arith.select %parallel_loop3A_313, %parallel_loop3A_316, %parallel_loop3A_317 : vector<16xi1>, vector<16xf32>
      %parallel_loop3A_319 = arith.constant 0 : i32
      %parallel_loop3A_320 = arith.addi %parallel_loop3A_319, %parallel_loop3A_304 : i32
      %parallel_loop3A_321 = arith.index_cast %parallel_loop3A_320 : i32 to index
      %parallel_loop3A_322 = tpu.vector_load %arg7[%parallel_loop3A_321] {strides = array<i32>} : memref<9216xf32, #tpu.memory_space<vmem>>, vector<16xf32>,
      %parallel_loop3A_323 = vector.shape_cast %parallel_loop3A_322 : vector<16xf32> to vector<16xf32>
      %parallel_loop3A_324 = arith.constant 1024 : i32
      %parallel_loop3A_325 = arith.addi %parallel_loop3A_324, %parallel_loop3A_304 : i32
      %parallel_loop3A_326 = arith.index_cast %parallel_loop3A_325 : i32 to index
      %parallel_loop3A_327 = tpu.vector_load %arg7[%parallel_loop3A_326] {strides = array<i32>} : memref<9216xf32, #tpu.memory_space<vmem>>, vector<16xf32>,
      %parallel_loop3A_328 = vector.shape_cast %parallel_loop3A_327 : vector<16xf32> to vector<16xf32>
      %parallel_loop3A_329 = arith.constant 2048 : i32
      %parallel_loop3A_330 = arith.addi %parallel_loop3A_329, %parallel_loop3A_304 : i32
      %parallel_loop3A_331 = arith.index_cast %parallel_loop3A_330 : i32 to index
      %parallel_loop3A_332 = tpu.vector_load %arg7[%parallel_loop3A_331] {strides = array<i32>} : memref<9216xf32, #tpu.memory_space<vmem>>, vector<16xf32>,
      %parallel_loop3A_333 = vector.shape_cast %parallel_loop3A_332 : vector<16xf32> to vector<16xf32>
      %parallel_loop3A_334 = arith.constant 3072 : i32
      %parallel_loop3A_335 = arith.addi %parallel_loop3A_334, %parallel_loop3A_304 : i32
      %parallel_loop3A_336 = arith.index_cast %parallel_loop3A_335 : i32 to index
      %parallel_loop3A_337 = tpu.vector_load %arg7[%parallel_loop3A_336] {strides = array<i32>} : memref<9216xf32, #tpu.memory_space<vmem>>, vector<16xf32>,
      %parallel_loop3A_338 = vector.shape_cast %parallel_loop3A_337 : vector<16xf32> to vector<16xf32>
      %parallel_loop3A_339 = arith.constant 4096 : i32
      %parallel_loop3A_340 = arith.addi %parallel_loop3A_339, %parallel_loop3A_304 : i32
      %parallel_loop3A_341 = arith.index_cast %parallel_loop3A_340 : i32 to index
      %parallel_loop3A_342 = tpu.vector_load %arg7[%parallel_loop3A_341] {strides = array<i32>} : memref<9216xf32, #tpu.memory_space<vmem>>, vector<16xf32>,
      %parallel_loop3A_343 = vector.shape_cast %parallel_loop3A_342 : vector<16xf32> to vector<16xf32>
      %parallel_loop3A_344 = arith.constant 5120 : i32
      %parallel_loop3A_345 = arith.addi %parallel_loop3A_344, %parallel_loop3A_304 : i32
      %parallel_loop3A_346 = arith.index_cast %parallel_loop3A_345 : i32 to index
      %parallel_loop3A_347 = tpu.vector_load %arg7[%parallel_loop3A_346] {strides = array<i32>} : memref<9216xf32, #tpu.memory_space<vmem>>, vector<16xf32>,
      %parallel_loop3A_348 = vector.shape_cast %parallel_loop3A_347 : vector<16xf32> to vector<16xf32>
      %parallel_loop3A_349 = arith.constant 6144 : i32
      %parallel_loop3A_350 = arith.addi %parallel_loop3A_349, %parallel_loop3A_304 : i32
      %parallel_loop3A_351 = arith.index_cast %parallel_loop3A_350 : i32 to index
      %parallel_loop3A_352 = tpu.vector_load %arg7[%parallel_loop3A_351] {strides = array<i32>} : memref<9216xf32, #tpu.memory_space<vmem>>, vector<16xf32>,
      %parallel_loop3A_353 = vector.shape_cast %parallel_loop3A_352 : vector<16xf32> to vector<16xf32>
      %parallel_loop3A_354 = arith.constant 7168 : i32
      %parallel_loop3A_355 = arith.addi %parallel_loop3A_354, %parallel_loop3A_304 : i32
      %parallel_loop3A_356 = arith.index_cast %parallel_loop3A_355 : i32 to index
      %parallel_loop3A_357 = tpu.vector_load %arg7[%parallel_loop3A_356] {strides = array<i32>} : memref<9216xf32, #tpu.memory_space<vmem>>, vector<16xf32>,
      %parallel_loop3A_358 = vector.shape_cast %parallel_loop3A_357 : vector<16xf32> to vector<16xf32>
      %parallel_loop3A_359 = arith.constant 8192 : i32
      %parallel_loop3A_360 = arith.addi %parallel_loop3A_359, %parallel_loop3A_304 : i32
      %parallel_loop3A_361 = arith.index_cast %parallel_loop3A_360 : i32 to index
      %parallel_loop3A_362 = tpu.vector_load %arg7[%parallel_loop3A_361] {strides = array<i32>} : memref<9216xf32, #tpu.memory_space<vmem>>, vector<16xf32>,
      %parallel_loop3A_363 = vector.shape_cast %parallel_loop3A_362 : vector<16xf32> to vector<16xf32>
      %parallel_loop3A_364 = arith.maximumf %parallel_loop3A_323, %parallel_loop3A_328 : vector<16xf32>
      %parallel_loop3A_365 = arith.maximumf %parallel_loop3A_364, %parallel_loop3A_333 : vector<16xf32>
      %parallel_loop3A_366 = arith.maximumf %parallel_loop3A_365, %parallel_loop3A_338 : vector<16xf32>
      %parallel_loop3A_367 = arith.maximumf %parallel_loop3A_366, %parallel_loop3A_343 : vector<16xf32>
      %parallel_loop3A_368 = arith.maximumf %parallel_loop3A_367, %parallel_loop3A_348 : vector<16xf32>
      %parallel_loop3A_369 = arith.maximumf %parallel_loop3A_368, %parallel_loop3A_353 : vector<16xf32>
      %parallel_loop3A_370 = arith.maximumf %parallel_loop3A_369, %parallel_loop3A_358 : vector<16xf32>
      %parallel_loop3A_371 = arith.maximumf %parallel_loop3A_370, %parallel_loop3A_363 : vector<16xf32>
      %parallel_loop3A_372 = arith.subf %parallel_loop3A_323, %parallel_loop3A_371 : vector<16xf32>
      %parallel_loop3A_373 = math.exp %parallel_loop3A_372 : vector<16xf32>
      %parallel_loop3A_374 = arith.subf %parallel_loop3A_328, %parallel_loop3A_371 : vector<16xf32>
      %parallel_loop3A_375 = math.exp %parallel_loop3A_374 : vector<16xf32>
      %parallel_loop3A_376 = arith.subf %parallel_loop3A_333, %parallel_loop3A_371 : vector<16xf32>
      %parallel_loop3A_377 = math.exp %parallel_loop3A_376 : vector<16xf32>
      %parallel_loop3A_378 = arith.subf %parallel_loop3A_338, %parallel_loop3A_371 : vector<16xf32>
      %parallel_loop3A_379 = math.exp %parallel_loop3A_378 : vector<16xf32>
      %parallel_loop3A_380 = arith.subf %parallel_loop3A_343, %parallel_loop3A_371 : vector<16xf32>
      %parallel_loop3A_381 = math.exp %parallel_loop3A_380 : vector<16xf32>
      %parallel_loop3A_382 = arith.subf %parallel_loop3A_348, %parallel_loop3A_371 : vector<16xf32>
      %parallel_loop3A_383 = math.exp %parallel_loop3A_382 : vector<16xf32>
      %parallel_loop3A_384 = arith.subf %parallel_loop3A_353, %parallel_loop3A_371 : vector<16xf32>
      %parallel_loop3A_385 = math.exp %parallel_loop3A_384 : vector<16xf32>
      %parallel_loop3A_386 = arith.subf %parallel_loop3A_358, %parallel_loop3A_371 : vector<16xf32>
      %parallel_loop3A_387 = math.exp %parallel_loop3A_386 : vector<16xf32>
      %parallel_loop3A_388 = arith.subf %parallel_loop3A_363, %parallel_loop3A_371 : vector<16xf32>
      %parallel_loop3A_389 = math.exp %parallel_loop3A_388 : vector<16xf32>
      %parallel_loop3A_390 = arith.addf %parallel_loop3A_373, %parallel_loop3A_375 : vector<16xf32>
      %parallel_loop3A_391 = arith.addf %parallel_loop3A_390, %parallel_loop3A_377 : vector<16xf32>
      %parallel_loop3A_392 = arith.addf %parallel_loop3A_391, %parallel_loop3A_379 : vector<16xf32>
      %parallel_loop3A_393 = arith.addf %parallel_loop3A_392, %parallel_loop3A_381 : vector<16xf32>
      %parallel_loop3A_394 = arith.addf %parallel_loop3A_393, %parallel_loop3A_383 : vector<16xf32>
      %parallel_loop3A_395 = arith.addf %parallel_loop3A_394, %parallel_loop3A_385 : vector<16xf32>
      %parallel_loop3A_396 = arith.addf %parallel_loop3A_395, %parallel_loop3A_387 : vector<16xf32>
      %parallel_loop3A_397 = arith.addf %parallel_loop3A_396, %parallel_loop3A_389 : vector<16xf32>
      %parallel_loop3A_398 = arith.constant 0.000000e+00 : f32
      %parallel_loop3A_399 = vector.broadcast %parallel_loop3A_398 : f32 to vector<16xf32>
      %parallel_loop3A_400 = arith.constant 0 : i32
      %parallel_loop3A_401 = vector.broadcast %parallel_loop3A_400 : i32 to vector<16xi32>
      %parallel_loop3A_402 = arith.cmpi eq, %parallel_loop3A_307, %parallel_loop3A_401 : vector<16xi32>
      %parallel_loop3A_403 = arith.constant 0.000000e+00 : f32
      %parallel_loop3A_404 = vector.broadcast %parallel_loop3A_403 : f32 to vector<16xf32>
      %parallel_loop3A_405 = arith.select %parallel_loop3A_402, %parallel_loop3A_323, %parallel_loop3A_404 : vector<16xi1>, vector<16xf32>
      %parallel_loop3A_406 = arith.addf %parallel_loop3A_399, %parallel_loop3A_405 : vector<16xf32>
      %parallel_loop3A_407 = arith.constant 0.000000e+00 : f32
      %parallel_loop3A_408 = vector.broadcast %parallel_loop3A_407 : f32 to vector<16xf32>
      %parallel_loop3A_409 = arith.select %parallel_loop3A_402, %broadcast_in_dim3A, %parallel_loop3A_408 : vector<16xi1>, vector<16xf32>
      %parallel_loop3A_410 = arith.addf %parallel_loop3A_399, %parallel_loop3A_409 : vector<16xf32>
      %parallel_loop3A_411 = arith.constant 1 : i32
      %parallel_loop3A_412 = vector.broadcast %parallel_loop3A_411 : i32 to vector<16xi32>
      %parallel_loop3A_413 = arith.cmpi eq, %parallel_loop3A_307, %parallel_loop3A_412 : vector<16xi32>
      %parallel_loop3A_414 = arith.constant 0.000000e+00 : f32
      %parallel_loop3A_415 = vector.broadcast %parallel_loop3A_414 : f32 to vector<16xf32>
      %parallel_loop3A_416 = arith.select %parallel_loop3A_413, %parallel_loop3A_328, %parallel_loop3A_415 : vector<16xi1>, vector<16xf32>
      %parallel_loop3A_417 = arith.addf %parallel_loop3A_406, %parallel_loop3A_416 : vector<16xf32>
      %parallel_loop3A_418 = arith.constant 0.000000e+00 : f32
      %parallel_loop3A_419 = vector.broadcast %parallel_loop3A_418 : f32 to vector<16xf32>
      %parallel_loop3A_420 = arith.select %parallel_loop3A_413, %broadcast_in_dim3A_167, %parallel_loop3A_419 : vector<16xi1>, vector<16xf32>
      %parallel_loop3A_421 = arith.addf %parallel_loop3A_410, %parallel_loop3A_420 : vector<16xf32>
      %parallel_loop3A_422 = arith.constant 2 : i32
      %parallel_loop3A_423 = vector.broadcast %parallel_loop3A_422 : i32 to vector<16xi32>
      %parallel_loop3A_424 = arith.cmpi eq, %parallel_loop3A_307, %parallel_loop3A_423 : vector<16xi32>
      %parallel_loop3A_425 = arith.constant 0.000000e+00 : f32
      %parallel_loop3A_426 = vector.broadcast %parallel_loop3A_425 : f32 to vector<16xf32>
      %parallel_loop3A_427 = arith.select %parallel_loop3A_424, %parallel_loop3A_333, %parallel_loop3A_426 : vector<16xi1>, vector<16xf32>
      %parallel_loop3A_428 = arith.addf %parallel_loop3A_417, %parallel_loop3A_427 : vector<16xf32>
      %parallel_loop3A_429 = arith.constant 0.000000e+00 : f32
      %parallel_loop3A_430 = vector.broadcast %parallel_loop3A_429 : f32 to vector<16xf32>
      %parallel_loop3A_431 = arith.select %parallel_loop3A_424, %broadcast_in_dim3A_170, %parallel_loop3A_430 : vector<16xi1>, vector<16xf32>
      %parallel_loop3A_432 = arith.addf %parallel_loop3A_421, %parallel_loop3A_431 : vector<16xf32>
      %parallel_loop3A_433 = arith.constant 3 : i32
      %parallel_loop3A_434 = vector.broadcast %parallel_loop3A_433 : i32 to vector<16xi32>
      %parallel_loop3A_435 = arith.cmpi eq, %parallel_loop3A_307, %parallel_loop3A_434 : vector<16xi32>
      %parallel_loop3A_436 = arith.constant 0.000000e+00 : f32
      %parallel_loop3A_437 = vector.broadcast %parallel_loop3A_436 : f32 to vector<16xf32>
      %parallel_loop3A_438 = arith.select %parallel_loop3A_435, %parallel_loop3A_338, %parallel_loop3A_437 : vector<16xi1>, vector<16xf32>
      %parallel_loop3A_439 = arith.addf %parallel_loop3A_428, %parallel_loop3A_438 : vector<16xf32>
      %parallel_loop3A_440 = arith.constant 0.000000e+00 : f32
      %parallel_loop3A_441 = vector.broadcast %parallel_loop3A_440 : f32 to vector<16xf32>
      %parallel_loop3A_442 = arith.select %parallel_loop3A_435, %broadcast_in_dim3A_173, %parallel_loop3A_441 : vector<16xi1>, vector<16xf32>
      %parallel_loop3A_443 = arith.addf %parallel_loop3A_432, %parallel_loop3A_442 : vector<16xf32>
      %parallel_loop3A_444 = arith.constant 4 : i32
      %parallel_loop3A_445 = vector.broadcast %parallel_loop3A_444 : i32 to vector<16xi32>
      %parallel_loop3A_446 = arith.cmpi eq, %parallel_loop3A_307, %parallel_loop3A_445 : vector<16xi32>
      %parallel_loop3A_447 = arith.constant 0.000000e+00 : f32
      %parallel_loop3A_448 = vector.broadcast %parallel_loop3A_447 : f32 to vector<16xf32>
      %parallel_loop3A_449 = arith.select %parallel_loop3A_446, %parallel_loop3A_343, %parallel_loop3A_448 : vector<16xi1>, vector<16xf32>
      %parallel_loop3A_450 = arith.addf %parallel_loop3A_439, %parallel_loop3A_449 : vector<16xf32>
      %parallel_loop3A_451 = arith.constant 0.000000e+00 : f32
      %parallel_loop3A_452 = vector.broadcast %parallel_loop3A_451 : f32 to vector<16xf32>
      %parallel_loop3A_453 = arith.select %parallel_loop3A_446, %broadcast_in_dim3A_176, %parallel_loop3A_452 : vector<16xi1>, vector<16xf32>
      %parallel_loop3A_454 = arith.addf %parallel_loop3A_443, %parallel_loop3A_453 : vector<16xf32>
      %parallel_loop3A_455 = arith.constant 5 : i32
      %parallel_loop3A_456 = vector.broadcast %parallel_loop3A_455 : i32 to vector<16xi32>
      %parallel_loop3A_457 = arith.cmpi eq, %parallel_loop3A_307, %parallel_loop3A_456 : vector<16xi32>
      %parallel_loop3A_458 = arith.constant 0.000000e+00 : f32
      %parallel_loop3A_459 = vector.broadcast %parallel_loop3A_458 : f32 to vector<16xf32>
      %parallel_loop3A_460 = arith.select %parallel_loop3A_457, %parallel_loop3A_348, %parallel_loop3A_459 : vector<16xi1>, vector<16xf32>
      %parallel_loop3A_461 = arith.addf %parallel_loop3A_450, %parallel_loop3A_460 : vector<16xf32>
      %parallel_loop3A_462 = arith.constant 0.000000e+00 : f32
      %parallel_loop3A_463 = vector.broadcast %parallel_loop3A_462 : f32 to vector<16xf32>
      %parallel_loop3A_464 = arith.select %parallel_loop3A_457, %broadcast_in_dim3A_179, %parallel_loop3A_463 : vector<16xi1>, vector<16xf32>
      %parallel_loop3A_465 = arith.addf %parallel_loop3A_454, %parallel_loop3A_464 : vector<16xf32>
      %parallel_loop3A_466 = arith.constant 6 : i32
      %parallel_loop3A_467 = vector.broadcast %parallel_loop3A_466 : i32 to vector<16xi32>
      %parallel_loop3A_468 = arith.cmpi eq, %parallel_loop3A_307, %parallel_loop3A_467 : vector<16xi32>
      %parallel_loop3A_469 = arith.constant 0.000000e+00 : f32
      %parallel_loop3A_470 = vector.broadcast %parallel_loop3A_469 : f32 to vector<16xf32>
      %parallel_loop3A_471 = arith.select %parallel_loop3A_468, %parallel_loop3A_353, %parallel_loop3A_470 : vector<16xi1>, vector<16xf32>
      %parallel_loop3A_472 = arith.addf %parallel_loop3A_461, %parallel_loop3A_471 : vector<16xf32>
      %parallel_loop3A_473 = arith.constant 0.000000e+00 : f32
      %parallel_loop3A_474 = vector.broadcast %parallel_loop3A_473 : f32 to vector<16xf32>
      %parallel_loop3A_475 = arith.select %parallel_loop3A_468, %broadcast_in_dim3A_182, %parallel_loop3A_474 : vector<16xi1>, vector<16xf32>
      %parallel_loop3A_476 = arith.addf %parallel_loop3A_465, %parallel_loop3A_475 : vector<16xf32>
      %parallel_loop3A_477 = arith.constant 7 : i32
      %parallel_loop3A_478 = vector.broadcast %parallel_loop3A_477 : i32 to vector<16xi32>
      %parallel_loop3A_479 = arith.cmpi eq, %parallel_loop3A_307, %parallel_loop3A_478 : vector<16xi32>
      %parallel_loop3A_480 = arith.constant 0.000000e+00 : f32
      %parallel_loop3A_481 = vector.broadcast %parallel_loop3A_480 : f32 to vector<16xf32>
      %parallel_loop3A_482 = arith.select %parallel_loop3A_479, %parallel_loop3A_358, %parallel_loop3A_481 : vector<16xi1>, vector<16xf32>
      %parallel_loop3A_483 = arith.addf %parallel_loop3A_472, %parallel_loop3A_482 : vector<16xf32>
      %parallel_loop3A_484 = arith.constant 0.000000e+00 : f32
      %parallel_loop3A_485 = vector.broadcast %parallel_loop3A_484 : f32 to vector<16xf32>
      %parallel_loop3A_486 = arith.select %parallel_loop3A_479, %broadcast_in_dim3A_185, %parallel_loop3A_485 : vector<16xi1>, vector<16xf32>
      %parallel_loop3A_487 = arith.addf %parallel_loop3A_476, %parallel_loop3A_486 : vector<16xf32>
      %parallel_loop3A_488 = arith.constant 8 : i32
      %parallel_loop3A_489 = vector.broadcast %parallel_loop3A_488 : i32 to vector<16xi32>
      %parallel_loop3A_490 = arith.cmpi eq, %parallel_loop3A_307, %parallel_loop3A_489 : vector<16xi32>
      %parallel_loop3A_491 = arith.constant 0.000000e+00 : f32
      %parallel_loop3A_492 = vector.broadcast %parallel_loop3A_491 : f32 to vector<16xf32>
      %parallel_loop3A_493 = arith.select %parallel_loop3A_490, %parallel_loop3A_363, %parallel_loop3A_492 : vector<16xi1>, vector<16xf32>
      %parallel_loop3A_494 = arith.addf %parallel_loop3A_483, %parallel_loop3A_493 : vector<16xf32>
      %parallel_loop3A_495 = arith.constant 0.000000e+00 : f32
      %parallel_loop3A_496 = vector.broadcast %parallel_loop3A_495 : f32 to vector<16xf32>
      %parallel_loop3A_497 = arith.select %parallel_loop3A_490, %broadcast_in_dim3A_188, %parallel_loop3A_496 : vector<16xi1>, vector<16xf32>
      %parallel_loop3A_498 = arith.addf %parallel_loop3A_487, %parallel_loop3A_497 : vector<16xf32>
      %parallel_loop3A_499 = arith.subf %parallel_loop3A_494, %parallel_loop3A_371 : vector<16xf32>
      %parallel_loop3A_500 = math.exp %parallel_loop3A_499 : vector<16xf32>
      %parallel_loop3A_501 = arith.subf %parallel_loop3A_397, %parallel_loop3A_500 : vector<16xf32>
      %parallel_loop3A_502 = arith.constant 1.000000e+00 : f32
      %parallel_loop3A_503 = vector.broadcast %parallel_loop3A_502 : f32 to vector<16xf32>
      %parallel_loop3A_504 = arith.divf %parallel_loop3A_503, %parallel_loop3A_397 : vector<16xf32>
      %parallel_loop3A_505 = arith.mulf %parallel_loop3A_501, %parallel_loop3A_504 : vector<16xf32>
      %parallel_loop3A_506 = arith.mulf %parallel_loop3A_498, %parallel_loop3A_505 : vector<16xf32>
      %parallel_loop3A_507 = arith.mulf %parallel_loop3A_506, %parallel_loop3A_505 : vector<16xf32>
      %parallel_loop3A_508 = tpu.bitcast %parallel_loop3A_397 : vector<16xf32> -> vector<16xi32>
      %parallel_loop3A_509 = arith.constant 23 : i32
      %parallel_loop3A_510 = vector.broadcast %parallel_loop3A_509 : i32 to vector<16xi32>
      %parallel_loop3A_511 = arith.shrsi %parallel_loop3A_508, %parallel_loop3A_510 : vector<16xi32>
      %parallel_loop3A_512 = arith.constant 127 : i32
      %parallel_loop3A_513 = vector.broadcast %parallel_loop3A_512 : i32 to vector<16xi32>
      %parallel_loop3A_514 = arith.subi %parallel_loop3A_511, %parallel_loop3A_513 : vector<16xi32>
      %parallel_loop3A_515 = arith.constant 8388607 : i32
      %parallel_loop3A_516 = vector.broadcast %parallel_loop3A_515 : i32 to vector<16xi32>
      %parallel_loop3A_517 = arith.andi %parallel_loop3A_508, %parallel_loop3A_516 : vector<16xi32>
      %parallel_loop3A_518 = arith.constant 1065353216 : i32
      %parallel_loop3A_519 = vector.broadcast %parallel_loop3A_518 : i32 to vector<16xi32>
      %parallel_loop3A_520 = arith.ori %parallel_loop3A_517, %parallel_loop3A_519 : vector<16xi32>
      %parallel_loop3A_521 = tpu.bitcast %parallel_loop3A_520 : vector<16xi32> -> vector<16xf32>
      %parallel_loop3A_522 = arith.constant 1.500000e+00 : f32
      %parallel_loop3A_523 = vector.broadcast %parallel_loop3A_522 : f32 to vector<16xf32>
      %parallel_loop3A_524 = arith.subf %parallel_loop3A_521, %parallel_loop3A_523 : vector<16xf32>
      %parallel_loop3A_525 = arith.constant -0.00615154486 : f32
      %parallel_loop3A_526 = vector.broadcast %parallel_loop3A_525 : f32 to vector<16xf32>
      %parallel_loop3A_527 = arith.mulf %parallel_loop3A_526, %parallel_loop3A_524 : vector<16xf32>
      %parallel_loop3A_528 = arith.constant 0.0102439485 : f32
      %parallel_loop3A_529 = vector.broadcast %parallel_loop3A_528 : f32 to vector<16xf32>
      %parallel_loop3A_530 = arith.addf %parallel_loop3A_527, %parallel_loop3A_529 : vector<16xf32>
      %parallel_loop3A_531 = arith.mulf %parallel_loop3A_530, %parallel_loop3A_524 : vector<16xf32>
      %parallel_loop3A_532 = arith.constant -0.0143383099 : f32
      %parallel_loop3A_533 = vector.broadcast %parallel_loop3A_532 : f32 to vector<16xf32>
      %parallel_loop3A_534 = arith.addf %parallel_loop3A_531, %parallel_loop3A_533 : vector<16xf32>
      %parallel_loop3A_535 = arith.mulf %parallel_loop3A_534, %parallel_loop3A_524 : vector<16xf32>
      %parallel_loop3A_536 = arith.constant 0.025967285 : f32
      %parallel_loop3A_537 = vector.broadcast %parallel_loop3A_536 : f32 to vector<16xf32>
      %parallel_loop3A_538 = arith.addf %parallel_loop3A_535, %parallel_loop3A_537 : vector<16xf32>
      %parallel_loop3A_539 = arith.mulf %parallel_loop3A_538, %parallel_loop3A_524 : vector<16xf32>
      %parallel_loop3A_540 = arith.constant -0.0494096242 : f32
      %parallel_loop3A_541 = vector.broadcast %parallel_loop3A_540 : f32 to vector<16xf32>
      %parallel_loop3A_542 = arith.addf %parallel_loop3A_539, %parallel_loop3A_541 : vector<16xf32>
      %parallel_loop3A_543 = arith.mulf %parallel_loop3A_542, %parallel_loop3A_524 : vector<16xf32>
      %parallel_loop3A_544 = arith.constant 0.0987917557 : f32
      %parallel_loop3A_545 = vector.broadcast %parallel_loop3A_544 : f32 to vector<16xf32>
      %parallel_loop3A_546 = arith.addf %parallel_loop3A_543, %parallel_loop3A_545 : vector<16xf32>
      %parallel_loop3A_547 = arith.mulf %parallel_loop3A_546, %parallel_loop3A_524 : vector<16xf32>
      %parallel_loop3A_548 = arith.constant -0.222221375 : f32
      %parallel_loop3A_549 = vector.broadcast %parallel_loop3A_548 : f32 to vector<16xf32>
      %parallel_loop3A_550 = arith.addf %parallel_loop3A_547, %parallel_loop3A_549 : vector<16xf32>
      %parallel_loop3A_551 = arith.mulf %parallel_loop3A_550, %parallel_loop3A_524 : vector<16xf32>
      %parallel_loop3A_552 = arith.constant 0.66666615 : f32
      %parallel_loop3A_553 = vector.broadcast %parallel_loop3A_552 : f32 to vector<16xf32>
      %parallel_loop3A_554 = arith.addf %parallel_loop3A_551, %parallel_loop3A_553 : vector<16xf32>
      %parallel_loop3A_555 = arith.mulf %parallel_loop3A_554, %parallel_loop3A_524 : vector<16xf32>
      %parallel_loop3A_556 = arith.constant 0.405465096 : f32
      %parallel_loop3A_557 = vector.broadcast %parallel_loop3A_556 : f32 to vector<16xf32>
      %parallel_loop3A_558 = arith.addf %parallel_loop3A_555, %parallel_loop3A_557 : vector<16xf32>
      %parallel_loop3A_559 = arith.sitofp %parallel_loop3A_514 : vector<16xi32> to vector<16xf32>
      %parallel_loop3A_560 = arith.constant 0.693147182 : f32
      %parallel_loop3A_561 = vector.broadcast %parallel_loop3A_560 : f32 to vector<16xf32>
      %parallel_loop3A_562 = arith.mulf %parallel_loop3A_559, %parallel_loop3A_561 : vector<16xf32>
      %parallel_loop3A_563 = arith.addf %parallel_loop3A_562, %parallel_loop3A_558 : vector<16xf32>
      %parallel_loop3A_564 = arith.subf %parallel_loop3A_563, %parallel_loop3A_499 : vector<16xf32>
      %parallel_loop3A_565 = arith.mulf %parallel_loop3A_507, %parallel_loop3A_564 : vector<16xf32>
      %parallel_loop3A_566 = arith.mulf %parallel_loop3A_565, %parallel_loop3A_318 : vector<16xf32>
      %parallel_loop3A_567 = arith.addf %parallel_loop3A_301, %parallel_loop3A_566 : vector<16xf32>
      %parallel_loop3A_568 = arith.addf %parallel_loop3A_302, %parallel_loop3A_318 : vector<16xf32>
      scf.yield %parallel_loop3A_567, %parallel_loop3A_568 : vector<16xf32>, vector<16xf32>
    } {sc.loop_unroll_factor = 8 : i64, sc.parallel_access}
    %slice3A_194 = vector.extract_strided_slice %parallel_loop3A_193#0 {offsets = [0], sizes = [1], strides = [1]} : vector<16xf32> to vector<1xf32>
    %squeeze3A_195 = vector.extract %slice3A_194[0] : f32 from vector<1xf32>
    %slice3A_196 = vector.extract_strided_slice %parallel_loop3A_193#1 {offsets = [0], sizes = [1], strides = [1]} : vector<16xf32> to vector<1xf32>
    %squeeze3A_197 = vector.extract %slice3A_196[0] : f32 from vector<1xf32>
    %slice3A_198 = vector.extract_strided_slice %parallel_loop3A_193#0 {offsets = [1], sizes = [1], strides = [1]} : vector<16xf32> to vector<1xf32>
    %squeeze3A_199 = vector.extract %slice3A_198[0] : f32 from vector<1xf32>
    %add3A_200 = arith.addf %squeeze3A_195, %squeeze3A_199 : f32
    %slice3A_201 = vector.extract_strided_slice %parallel_loop3A_193#1 {offsets = [1], sizes = [1], strides = [1]} : vector<16xf32> to vector<1xf32>
    %squeeze3A_202 = vector.extract %slice3A_201[0] : f32 from vector<1xf32>
    %add3A_203 = arith.addf %squeeze3A_197, %squeeze3A_202 : f32
    %slice3A_204 = vector.extract_strided_slice %parallel_loop3A_193#0 {offsets = [2], sizes = [1], strides = [1]} : vector<16xf32> to vector<1xf32>
    %squeeze3A_205 = vector.extract %slice3A_204[0] : f32 from vector<1xf32>
    %add3A_206 = arith.addf %add3A_200, %squeeze3A_205 : f32
    %slice3A_207 = vector.extract_strided_slice %parallel_loop3A_193#1 {offsets = [2], sizes = [1], strides = [1]} : vector<16xf32> to vector<1xf32>
    %squeeze3A_208 = vector.extract %slice3A_207[0] : f32 from vector<1xf32>
    %add3A_209 = arith.addf %add3A_203, %squeeze3A_208 : f32
    %slice3A_210 = vector.extract_strided_slice %parallel_loop3A_193#0 {offsets = [3], sizes = [1], strides = [1]} : vector<16xf32> to vector<1xf32>
    %squeeze3A_211 = vector.extract %slice3A_210[0] : f32 from vector<1xf32>
    %add3A_212 = arith.addf %add3A_206, %squeeze3A_211 : f32
    %slice3A_213 = vector.extract_strided_slice %parallel_loop3A_193#1 {offsets = [3], sizes = [1], strides = [1]} : vector<16xf32> to vector<1xf32>
    %squeeze3A_214 = vector.extract %slice3A_213[0] : f32 from vector<1xf32>
    %add3A_215 = arith.addf %add3A_209, %squeeze3A_214 : f32
    %slice3A_216 = vector.extract_strided_slice %parallel_loop3A_193#0 {offsets = [4], sizes = [1], strides = [1]} : vector<16xf32> to vector<1xf32>
    %squeeze3A_217 = vector.extract %slice3A_216[0] : f32 from vector<1xf32>
    %add3A_218 = arith.addf %add3A_212, %squeeze3A_217 : f32
    %slice3A_219 = vector.extract_strided_slice %parallel_loop3A_193#1 {offsets = [4], sizes = [1], strides = [1]} : vector<16xf32> to vector<1xf32>
    %squeeze3A_220 = vector.extract %slice3A_219[0] : f32 from vector<1xf32>
    %add3A_221 = arith.addf %add3A_215, %squeeze3A_220 : f32
    %slice3A_222 = vector.extract_strided_slice %parallel_loop3A_193#0 {offsets = [5], sizes = [1], strides = [1]} : vector<16xf32> to vector<1xf32>
    %squeeze3A_223 = vector.extract %slice3A_222[0] : f32 from vector<1xf32>
    %add3A_224 = arith.addf %add3A_218, %squeeze3A_223 : f32
    %slice3A_225 = vector.extract_strided_slice %parallel_loop3A_193#1 {offsets = [5], sizes = [1], strides = [1]} : vector<16xf32> to vector<1xf32>
    %squeeze3A_226 = vector.extract %slice3A_225[0] : f32 from vector<1xf32>
    %add3A_227 = arith.addf %add3A_221, %squeeze3A_226 : f32
    %slice3A_228 = vector.extract_strided_slice %parallel_loop3A_193#0 {offsets = [6], sizes = [1], strides = [1]} : vector<16xf32> to vector<1xf32>
    %squeeze3A_229 = vector.extract %slice3A_228[0] : f32 from vector<1xf32>
    %add3A_230 = arith.addf %add3A_224, %squeeze3A_229 : f32
    %slice3A_231 = vector.extract_strided_slice %parallel_loop3A_193#1 {offsets = [6], sizes = [1], strides = [1]} : vector<16xf32> to vector<1xf32>
    %squeeze3A_232 = vector.extract %slice3A_231[0] : f32 from vector<1xf32>
    %add3A_233 = arith.addf %add3A_227, %squeeze3A_232 : f32
    %slice3A_234 = vector.extract_strided_slice %parallel_loop3A_193#0 {offsets = [7], sizes = [1], strides = [1]} : vector<16xf32> to vector<1xf32>
    %squeeze3A_235 = vector.extract %slice3A_234[0] : f32 from vector<1xf32>
    %add3A_236 = arith.addf %add3A_230, %squeeze3A_235 : f32
    %slice3A_237 = vector.extract_strided_slice %parallel_loop3A_193#1 {offsets = [7], sizes = [1], strides = [1]} : vector<16xf32> to vector<1xf32>
    %squeeze3A_238 = vector.extract %slice3A_237[0] : f32 from vector<1xf32>
    %add3A_239 = arith.addf %add3A_233, %squeeze3A_238 : f32
    %slice3A_240 = vector.extract_strided_slice %parallel_loop3A_193#0 {offsets = [8], sizes = [1], strides = [1]} : vector<16xf32> to vector<1xf32>
    %squeeze3A_241 = vector.extract %slice3A_240[0] : f32 from vector<1xf32>
    %add3A_242 = arith.addf %add3A_236, %squeeze3A_241 : f32
    %slice3A_243 = vector.extract_strided_slice %parallel_loop3A_193#1 {offsets = [8], sizes = [1], strides = [1]} : vector<16xf32> to vector<1xf32>
    %squeeze3A_244 = vector.extract %slice3A_243[0] : f32 from vector<1xf32>
    %add3A_245 = arith.addf %add3A_239, %squeeze3A_244 : f32
    %slice3A_246 = vector.extract_strided_slice %parallel_loop3A_193#0 {offsets = [9], sizes = [1], strides = [1]} : vector<16xf32> to vector<1xf32>
    %squeeze3A_247 = vector.extract %slice3A_246[0] : f32 from vector<1xf32>
    %add3A_248 = arith.addf %add3A_242, %squeeze3A_247 : f32
    %slice3A_249 = vector.extract_strided_slice %parallel_loop3A_193#1 {offsets = [9], sizes = [1], strides = [1]} : vector<16xf32> to vector<1xf32>
    %squeeze3A_250 = vector.extract %slice3A_249[0] : f32 from vector<1xf32>
    %add3A_251 = arith.addf %add3A_245, %squeeze3A_250 : f32
    %slice3A_252 = vector.extract_strided_slice %parallel_loop3A_193#0 {offsets = [10], sizes = [1], strides = [1]} : vector<16xf32> to vector<1xf32>
    %squeeze3A_253 = vector.extract %slice3A_252[0] : f32 from vector<1xf32>
    %add3A_254 = arith.addf %add3A_248, %squeeze3A_253 : f32
    %slice3A_255 = vector.extract_strided_slice %parallel_loop3A_193#1 {offsets = [10], sizes = [1], strides = [1]} : vector<16xf32> to vector<1xf32>
    %squeeze3A_256 = vector.extract %slice3A_255[0] : f32 from vector<1xf32>
    %add3A_257 = arith.addf %add3A_251, %squeeze3A_256 : f32
    %slice3A_258 = vector.extract_strided_slice %parallel_loop3A_193#0 {offsets = [11], sizes = [1], strides = [1]} : vector<16xf32> to vector<1xf32>
    %squeeze3A_259 = vector.extract %slice3A_258[0] : f32 from vector<1xf32>
    %add3A_260 = arith.addf %add3A_254, %squeeze3A_259 : f32
    %slice3A_261 = vector.extract_strided_slice %parallel_loop3A_193#1 {offsets = [11], sizes = [1], strides = [1]} : vector<16xf32> to vector<1xf32>
    %squeeze3A_262 = vector.extract %slice3A_261[0] : f32 from vector<1xf32>
    %add3A_263 = arith.addf %add3A_257, %squeeze3A_262 : f32
    %slice3A_264 = vector.extract_strided_slice %parallel_loop3A_193#0 {offsets = [12], sizes = [1], strides = [1]} : vector<16xf32> to vector<1xf32>
    %squeeze3A_265 = vector.extract %slice3A_264[0] : f32 from vector<1xf32>
    %add3A_266 = arith.addf %add3A_260, %squeeze3A_265 : f32
    %slice3A_267 = vector.extract_strided_slice %parallel_loop3A_193#1 {offsets = [12], sizes = [1], strides = [1]} : vector<16xf32> to vector<1xf32>
    %squeeze3A_268 = vector.extract %slice3A_267[0] : f32 from vector<1xf32>
    %add3A_269 = arith.addf %add3A_263, %squeeze3A_268 : f32
    %slice3A_270 = vector.extract_strided_slice %parallel_loop3A_193#0 {offsets = [13], sizes = [1], strides = [1]} : vector<16xf32> to vector<1xf32>
    %squeeze3A_271 = vector.extract %slice3A_270[0] : f32 from vector<1xf32>
    %add3A_272 = arith.addf %add3A_266, %squeeze3A_271 : f32
    %slice3A_273 = vector.extract_strided_slice %parallel_loop3A_193#1 {offsets = [13], sizes = [1], strides = [1]} : vector<16xf32> to vector<1xf32>
    %squeeze3A_274 = vector.extract %slice3A_273[0] : f32 from vector<1xf32>
    %add3A_275 = arith.addf %add3A_269, %squeeze3A_274 : f32
    %slice3A_276 = vector.extract_strided_slice %parallel_loop3A_193#0 {offsets = [14], sizes = [1], strides = [1]} : vector<16xf32> to vector<1xf32>
    %squeeze3A_277 = vector.extract %slice3A_276[0] : f32 from vector<1xf32>
    %add3A_278 = arith.addf %add3A_272, %squeeze3A_277 : f32
    %slice3A_279 = vector.extract_strided_slice %parallel_loop3A_193#1 {offsets = [14], sizes = [1], strides = [1]} : vector<16xf32> to vector<1xf32>
    %squeeze3A_280 = vector.extract %slice3A_279[0] : f32 from vector<1xf32>
    %add3A_281 = arith.addf %add3A_275, %squeeze3A_280 : f32
    %slice3A_282 = vector.extract_strided_slice %parallel_loop3A_193#0 {offsets = [15], sizes = [1], strides = [1]} : vector<16xf32> to vector<1xf32>
    %squeeze3A_283 = vector.extract %slice3A_282[0] : f32 from vector<1xf32>
    %add3A_284 = arith.addf %add3A_278, %squeeze3A_283 : f32
    %slice3A_285 = vector.extract_strided_slice %parallel_loop3A_193#1 {offsets = [15], sizes = [1], strides = [1]} : vector<16xf32> to vector<1xf32>
    %squeeze3A_286 = vector.extract %slice3A_285[0] : f32 from vector<1xf32>
    %add3A_287 = arith.addf %add3A_281, %squeeze3A_286 : f32
    %eq3A = arith.constant 0 : i32
    %eq3A_288 = vector.broadcast %eq3A : i32 to vector<16xi32>
    %eq3A_289 = arith.cmpi eq, %iota3A, %eq3A_288 : vector<16xi32>
    %eq3A_290 = arith.constant 1 : i32
    %eq3A_291 = vector.broadcast %eq3A_290 : i32 to vector<16xi32>
    %eq3A_292 = arith.cmpi eq, %iota3A, %eq3A_291 : vector<16xi32>
    %jit3A = arith.constant 0.000000e+00 : f32
    %broadcast_in_dim3A_293 = vector.broadcast %add3A_287 : f32 to vector<16xf32>
    %broadcast_in_dim3A_294 = vector.broadcast %jit3A : f32 to vector<16xf32>
    %select_n3A = arith.select %eq3A_292, %broadcast_in_dim3A_293, %broadcast_in_dim3A_294 : vector<16xi1>, vector<16xf32>
    %broadcast_in_dim3A_295 = vector.broadcast %add3A_284 : f32 to vector<16xf32>
    %select_n3A_296 = arith.select %eq3A_289, %broadcast_in_dim3A_295, %select_n3A : vector<16xi1>, vector<16xf32>
    %swap3A = arith.constant 0 : index
    %swap3A_297 = tpu.vector_load %arg11[%swap3A] {strides = array<i32>} : memref<16xf32, #tpu.memory_space<vmem>>, vector<16xf32>,
    %swap3A_298 = vector.shape_cast %swap3A_297 : vector<16xf32> to vector<16xf32>
    %swap3A_299 = vector.shape_cast %select_n3A_296 : vector<16xf32> to vector<16xf32>
    tpu.vector_store %arg11[%swap3A], %swap3A_299 {strides = array<i32>} : memref<16xf32, #tpu.memory_space<vmem>>, vector<16xf32>,
    "tpu.region"() ({
      %run_scoped3A = tpu.sem_alloc : memref<!tpu.dma_semaphore, #tpu.memory_space<semaphore_mem>>
      %dma_start3A_300 = arith.constant 0 : i32
      %dma_start3A_301 = tpu.memref_slice %arg6[%add3A, %dma_start3A_300] : memref<32x16xf32, #tpu.memory_space<hbm>> -> memref<1x16xf32, #tpu.memory_space<hbm>>
      %dma_start3A_302 = tpu.memref_squeeze %dma_start3A_301 : memref<1x16xf32, #tpu.memory_space<hbm>> -> memref<16xf32, #tpu.memory_space<hbm>>
      %dma_start3A_303 = arith.constant 0 : i32
      %dma_start3A_304 = tpu.memref_slice %arg6[%add3A, %dma_start3A_303] : memref<32x16xf32, #tpu.memory_space<hbm>> -> memref<1x16xf32, #tpu.memory_space<hbm>>
      %dma_start3A_305 = tpu.memref_squeeze %dma_start3A_304 : memref<1x16xf32, #tpu.memory_space<hbm>> -> memref<16xf32, #tpu.memory_space<hbm>>
      tpu.enqueue_dma source(%arg11 : memref<16xf32, #tpu.memory_space<vmem>>) target(%dma_start3A_305 : memref<16xf32, #tpu.memory_space<hbm>>) target_semaphore(%run_scoped3A : memref<!tpu.dma_semaphore, #tpu.memory_space<semaphore_mem>>)
      %dma_wait3A_306 = arith.constant 0 : i32
      %dma_wait3A_307 = tpu.memref_slice %arg6[%add3A, %dma_wait3A_306] : memref<32x16xf32, #tpu.memory_space<hbm>> -> memref<1x16xf32, #tpu.memory_space<hbm>>
      %dma_wait3A_308 = tpu.memref_squeeze %dma_wait3A_307 : memref<1x16xf32, #tpu.memory_space<hbm>> -> memref<16xf32, #tpu.memory_space<hbm>>
      %dma_wait3A_309 = arith.constant 0 : i32
      %dma_wait3A_310 = tpu.memref_slice %arg6[%add3A, %dma_wait3A_309] : memref<32x16xf32, #tpu.memory_space<hbm>> -> memref<1x16xf32, #tpu.memory_space<hbm>>
      %dma_wait3A_311 = tpu.memref_squeeze %dma_wait3A_310 : memref<1x16xf32, #tpu.memory_space<hbm>> -> memref<16xf32, #tpu.memory_space<hbm>>
      tpu.wait_dma2 semaphore(%run_scoped3A : memref<!tpu.dma_semaphore, #tpu.memory_space<semaphore_mem>>) src(%arg11 : memref<16xf32, #tpu.memory_space<vmem>>) dst(%dma_wait3A_311 : memref<16xf32, #tpu.memory_space<hbm>>)
      tpu.yield
    }) : () -> ()
    return
  }
}

</mosaic_0001>

<sc_bundles>
// kernel: kernel.3.cloned.1.call-start
scs
__scs_entry_jumppad:
0x0: {  	(pc) =	sbr.rel $0x88, $3  }
0x1: {  	(tag) =	ssettag $0x0;
	lr =	simm.s32 $0x1  }
0x2: {  	[smem:$0x3F9D] =	sst lr;
	_ =	strace $0xD0000000  }
0x3: {  	_ = 	snop  }
0x4: {  	_ = 	snop  }
0x5: {  	_ = 	snop  }
0x6: {  	_ = 	snop  }
0x7: {  	_ = 	snop  }
__scs_overlays_trampoline_lowered:
0x8: {  	[smem:$0x3FAC] =	sst s0  }
0x9: {  	[smem:$0x3FAD] =	sst s1  }
0xa: {  	[smem:$0x3FAE] =	sst s2  }
0xb: {  	[smem:$0x3FAF] =	sst s3  }
0xc: {  	[smem:$0x3FB0] =	sst s4  }
0xd: {  	[smem:$0x3FB1] =	sst s5  }
0xe: {  	[smem:$0x3FB2] =	sst s6  }
0xf: {  	[smem:$0x3FB3] =	sst s7  }
0x10: {  	[smem:$0x3FB4] =	sst s8  }
0x11: {  	[smem:$0x3FB5] =	sst s9;
	s0 =	simm.s32 @!p0 $0x0  }
0x12: {  	s1 =	sld [smem:$0x3F9B];
	s0 =	simm.s32 @p0 $0x1  }
0x13: {  	[smem:$0x3FB6] =	sst s0;
	s0 =	simm.s32 @!p1 $0x0  }
0x14: {  	s2 =	sld [smem:$0x3F9A];
	s0 =	simm.s32 @p1 $0x1  }
0x15: {  	[smem:$0x3FB7] =	sst s0;
	s0 =	simm.s32 @!p2 $0x0  }
0x16: {  	s3 =	sld [smem:$0x3FDB];
	s0 =	simm.s32 @p2 $0x1  }
0x17: {  	s4 =	simm.s32 $0x1BF5;
	[smem:$0x3FB9] =	sst s0  }
0x18: {  	s0 =	sld [smem:$0x3F9C];
	_ =	swait.ge [sflag:s4], $0x0  }
0x19: {  	s7 =	sld [smem:$0x3F9D]  }
0x1a: {  	s8 =	sadd.s32 $0xFFFFE003, lr  }
0x1b: {  	s9 =	sadd.s32 $0xFFFFFEF7, lr;
	s5 =	simm.s32 $0xFFFFFFFF;
	p2 =	slt.u32 s8, $0xFFFFF086  }
0x1c: {  	p1 =	slt.u32 s9, $0xF7A;
	s5 =	simm.s32 @!p2 $0x0  }
0x1d: {  	s5 =	simm.s32 @p1 $0x1;
	p0 =	seq.s32 s7, s2  }
0x1e: {  	s7 =	smul.u32 @!p0 $0xF7A, s2;
	p2 =	seq.s32 @!p0 s5, $0x0  }
0x1f: {  	s9 =	smul.u32 $0xF7A, s1;
	s8 =	simm.s32 @!p0 $0x1BF5;
	p2 =	por !p2, p0  }
0x20: {  	[sflag:s8] =	ssyncset.s32 @!p0 $0xFFFFF086;
	s6 =	sadd.s32 @!p0 s3, s7;
	s7 =	simm.s32 @!p0 $0x108  }
0x21: {  	s3 =	sadd.s32 s3, s9;
	s6 =	sadd.s32 @!p0 $0x88, s6;
	s7 =	simm.s32 @p2 $0x1082  }
0x22: {  	[simem:s7], [sflag:s8] =	dma.local @!p0 [hbm:s6], $0xF7A  }
0x23: {  	s9 =	sor.u32 $0xD0000000, s2;
	s6 =	simm.s32 $0x108;
	_ =	swait.ge @!p0 [sflag:s8], $0x0  }
0x24: {  	s3 =	sadd.s32 $0x88, s3;
	s6 =	simm.s32 @!p1 $0x1082;
	[sflag:s4] =	ssyncset.s32 $0xFFFFF086  }
0x25: {  	[simem:s6], [sflag:s4] =	dma.local [hbm:s3], $0xF7A  }
0x26: {  	[smem:$0x3F9D] =	sst s1;
	(tag) =	ssettag s2;
	_ =	strace s9  }
0x27: {  	s1 =	sld [smem:$0x3FAD]  }
0x28: {  	s2 =	sld [smem:$0x3FAE]  }
0x29: {  	s4 =	sld [smem:$0x3FB0]  }
0x2a: {  	p0 =	seq.s32 s5, $0x0;
	s5 =	sld [smem:$0x3FB1]  }
0x2b: {  	s6 =	sld [smem:$0x3FB2]  }
0x2c: {  	s7 =	sld [smem:$0x3FB3]  }
0x2d: {  	s3 =	simm.s32 $0x108;
	s8 =	sld [smem:$0x3FB4]  }
0x2e: {  	s3 =	simm.s32 @!p0 $0x1082;
	s9 =	sld [smem:$0x3FB5]  }
0x2f: {  	lr =	sadd.s32 s0, s3;
	s0 =	sld [smem:$0x3FAC]  }
0x30: {  	s3 =	sld [smem:$0x3FAF]  }
0x31: {  	[smem:$0x3FB8] =	sst s10  }
0x32: {  	s10 =	sld [smem:$0x3FB6];
	_ =	sdelay $0x3  }
0x33: {  	p0 =	seq.s32 s10, $0x1;
	s10 =	sld [smem:$0x3FB8];
	_ =	sdelay $0x3  }
0x34: {  	[smem:$0x3FB8] =	sst s10  }
0x35: {  	s10 =	sld [smem:$0x3FB7];
	_ =	sdelay $0x3  }
0x36: {  	p1 =	seq.s32 s10, $0x1;
	s10 =	sld [smem:$0x3FB8];
	_ =	sdelay $0x3  }
0x37: {  	[smem:$0x3FB8] =	sst s10  }
0x38: {  	s10 =	sld [smem:$0x3FB9]  }
0x39: {  	_ = 	snop;
	(pc) =	sbr.ind lr, $3  }
0x3a: {  	_ = 	snop  }
0x3b: {  	_ = 	snop  }
0x3c: {  	p2 =	seq.s32 s10, $0x1;
	s10 =	sld [smem:$0x3FB8]  }
0x3d: {  	_ =	shalt  }
0x3e: {  	_ =	shalt  }
0x3f: {  	_ =	shalt  }
0x40: {  	_ =	shalt  }
0x41: {  	_ =	shalt  }
0x42: {  	_ =	shalt  }
0x43: {  	_ =	shalt  }
0x44: {  	_ =	shalt  }
0x45: {  	_ =	shalt  }
0x46: {  	_ =	shalt  }
0x47: {  	_ =	shalt  }
0x48: {  	_ =	shalt  }
0x49: {  	_ =	shalt  }
0x4a: {  	_ =	shalt  }
0x4b: {  	_ =	shalt  }
0x4c: {  	_ =	shalt  }
0x4d: {  	_ =	shalt  }
0x4e: {  	_ =	shalt  }
0x4f: {  	_ =	shalt  }
0x50: {  	_ =	shalt  }
0x51: {  	_ =	shalt  }
0x52: {  	_ =	shalt  }
0x53: {  	_ =	shalt  }
0x54: {  	_ =	shalt  }
0x55: {  	_ =	shalt  }
0x56: {  	_ =	shalt  }
0x57: {  	_ =	shalt  }
0x58: {  	_ =	shalt  }
0x59: {  	_ =	shalt  }
0x5a: {  	_ =	shalt  }
0x5b: {  	_ =	shalt  }
0x5c: {  	_ =	shalt  }
0x5d: {  	_ =	shalt  }
0x5e: {  	_ =	shalt  }
0x5f: {  	_ =	shalt  }
0x60: {  	_ =	shalt  }
0x61: {  	_ =	shalt  }
0x62: {  	_ =	shalt  }
0x63: {  	_ =	shalt  }
0x64: {  	_ =	shalt  }
0x65: {  	_ =	shalt  }
0x66: {  	_ =	shalt  }
0x67: {  	_ =	shalt  }
0x68: {  	_ =	shalt  }
0x69: {  	_ =	shalt  }
0x6a: {  	_ =	shalt  }
0x6b: {  	_ =	shalt  }
0x6c: {  	_ =	shalt  }
0x6d: {  	_ =	shalt  }
0x6e: {  	_ =	shalt  }
0x6f: {  	_ =	shalt  }
0x70: {  	_ =	shalt  }
0x71: {  	_ =	shalt  }
0x72: {  	_ =	shalt  }
0x73: {  	_ =	shalt  }
0x74: {  	_ =	shalt  }
0x75: {  	_ =	shalt  }
0x76: {  	_ =	shalt  }
0x77: {  	_ =	shalt  }
0x78: {  	_ =	shalt  }
0x79: {  	_ =	shalt  }
0x7a: {  	_ =	shalt  }
0x7b: {  	_ =	shalt  }
0x7c: {  	_ =	shalt  }
0x7d: {  	_ =	shalt  }
0x7e: {  	_ =	shalt  }
0x7f: {  	_ =	shalt  }
0x80: {  	_ =	shalt  }
0x81: {  	_ =	shalt  }
0x82: {  	_ =	shalt  }
0x83: {  	_ =	shalt  }
0x84: {  	_ =	shalt  }
0x85: {  	_ =	shalt  }
0x86: {  	_ =	shalt  }
0x87: {  	_ =	shalt  }
.Lfunc_end0:
.L_simem_size_0:
called_computation_lowered:
.L_overlay_start_0:
0x88: {  	s2 =	sld [smem:$0x3FD9]  }
0x89: {  	s3 =	sld [smem:$0x3FFE];
	_ =	sdelay $0x1  }
0x8a: {  	s1 =	srdreg.scid  }
0x8b: {  	s0 =	sand.u32 $0x1, s1  }
0x8c: {  	s17 =	sshll.u32 s0, $0xA;
	s2 =	sadd.s32 s3, s2  }
0x8d: {  	s2 =	sadd.s32 s2, s17  }
0x8e: {  	[smem:$0x3FC4] =	sst s2  }
0x8f: {  	_ = 	snop  }
0x90: {  	s2 =	sld [smem:$0x3FC9]  }
0x91: {  	s18 =	sld [smem:$0x3FC8]  }
0x92: {  	s4 =	sld [smem:$0x3FC7]  }
0x93: {  	s5 =	sld [smem:$0x3FC6];
	(tm) =	ssettm $0x1  }
0x94: {  	s6 =	sld [smem:$0x3FFB];
	_ =	sdelay $0x3  }
0x95: {  	_ =	strace s6  }
0x96: {  	s6 =	sld [smem:$0x3FFC];
	_ =	sdelay $0x3  }
0x97: {  	_ =	strace s6  }
0x98: {  	s6 =	sld [smem:$0x3FFD];
	_ =	sdelay $0x3  }
0x99: {  	_ =	strace s6  }
0x9a: {  	_ =	strace $0x8FFFFFFF  }
0x9b: {  	s19 =	sld [smem:$0x3FDB];
	_ =	sdelay $0x1  }
0x9c: {  	s7 =	simm.s32 $_scs_section_size  }
0x9d: {  	s8 =	simm.s32 $_size__tile_overlayer_lowered;
	s9 =	simm.s32 $_tile_overlayer_lowered  }
0x9e: {  	s22 =	simm.s32 $0x1BFF;
	s21 =	sshll.u32 s9, $0x1;
	s6 =	sadd.s32 s7, s19  }
0x9f: {  	s10 =	simm.s32 $0x0;
	s20 =	sshll.u32 s8, $0x1;
	s8 =	sadd.s32 s21, s6  }
0xa0: {  	[timem:s10], [sflag:s22] =	dma.local [hbm:s8], s20  }
0xa1: {  	_ =	swait.ge [sflag:s22], s20  }
0xa2: {  	s7 =	ssub.s32 $0x0, s20;
	[sflag:s22] =	ssyncset.done $0x0  }
0xa3: {  	[sflag:s22] =	ssyncadd.s32 s7;
	_ =	sdelay $0x1  }
0xa4: {  	s23 =	simm.s32 $0x1B8B  }
0xa5: {  	_ =	swait.ge [sflag:s23], $0x1  }
0xa6: {  	[sflag:s23] =	ssyncset.done $0x0  }
0xa7: {  	s25 =	simm.s32 $0x1B8E;
	s24 =	sld [smem:$0x3FFE];
	[sflag:s23] =	ssyncadd.s32 $0xFFFFFFFF  }
0xa8: {  	s26 =	simm.s32 $execute0_lowered;
	[smem:$0x3FD2] =	sst s25  }
0xa9: {  	s8 =	sshll.u32 s26, $0x1;
	_ =	strace $0x80000046;
	[dreg:$0x1] =	wrdreg $0xFFFFFFFF  }
0xaa: {  	s28 =	simm.s32 $_size_execute0_lowered;
	s6 =	sadd.s32 s6, s8;
	[dreg:$0x0] =	wrdreg $0x0  }
0xab: {  	s8 =	sshll.u32 s28, $0x1;
	[dreg:$0x2] =	wrdreg s6  }
0xac: {  	[dreg:$0x3] =	wrdreg s8  }
0xad: {  	[dreg:$0x4] =	wrdreg $0xC0  }
0xae: {  	_ =	task [dreg:s10], $0x5FFFF  }
0xaf: {  	[dreg:$0x1] =	wrdreg $0xFFFFFFFF  }
0xb0: {  	[dreg:$0x0] =	wrdreg $0x60  }
0xb1: {  	[dreg:$0x2] =	wrdreg s2  }
0xb2: {  	[dreg:$0x3] =	wrdreg s4  }
0xb3: {  	[dreg:$0x4] =	wrdreg s18  }
0xb4: {  	[dreg:$0x5] =	wrdreg s5  }
0xb5: {  	[dreg:$0x6] =	wrdreg s24  }
0xb6: {  	[dreg:$0x7] =	wrdreg $0x9  }
0xb7: {  	_ =	task.clear_ibuf [dreg:s10], $0x8FFFF;
	_ =	strace $0x90000046  }
0xb8: {  	s29 =	simm.s32 $0x9;
	_ =	strace $0x80000048  }
0xb9: {  	_ =	swait.ge [sflag:s29], $0x1  }
0xba: {  	[sflag:s29] =	ssyncadd.s32 $0xFFFFFFFF  }
0xbb: {  	_ =	strace $0x90000048  }
0xbc: {  	_ =	sfence  }
0xbd: {  	s30 =	sld [smem:$0x0];
	_ =	sdelay $0x2  }
0xbe: {  	s31 =	sshll.u32 s1, $0xD;
	s1 =	sshrl.u32 s1, $0x2  }
0xbf: {  	s3 =	sand.u32 $0x4000, s31;
	s1 =	sadd.s32 s1, s30  }
0xc0: {  	s0 =	sor.u32 s3, s0;
	s1 =	sshll.u32 s1, $0x11  }
0xc1: {  	s0 =	sor.u32 s1, s0  }
0xc2: {  	s0 =	sadd.s32 $0x8F2B, s0  }
0xc3: {  	[sflag:s0] =	ssyncadd.remote.s32 $0x1  }
0xc4: {  	_ =	sfence.sel $0xFFFF  }
0xc5: {  	[dreg:$0x0] =	wrdreg $0xFFFFFFFF;
	(pc) =	sbr.abs _section_cstart, $3  }
0xc6: {  	[dreg:$0x1] =	wrdreg $0xFFFFFFFF  }
0xc7: {  	_ =	task.clear_ibuf [dreg:s10], $0x2FFFF;
	_ =	strace $0x9FFFFFFF  }
0xc8: {  	(tm) =	ssettm $0x7FFFFFFF  }
0xc9: {  	_ =	shalt  }
tec
execute0_lowered:
.L_overlay_start_1:
0x0: {  	(tag) =	ssettag $0x1  }
0x1: {  	s0 =	rddreg [dreg:$0x0]  }
0x2: {  	s1 =	rddreg [dreg:$0x1]  }
0x3: {  	s2 =	rddreg [dreg:$0x2];
	s3 =	srdreg.scid  }
0x4: {  	s5 =	stileid.u32;
	s15 =	rddreg [dreg:$0x4]  }
0x5: {  	s18 =	simm.s32 $0x800;
	s19 =	simm.s32 $0xC00;
	s20 =	simm.s32 $0x1000  }
0x6: {  	s21 =	simm.s32 $0x1400;
	s22 =	simm.s32 $0x1800;
	s23 =	simm.s32 $0x1C00  }
0x7: {  	s24 =	simm.s32 $0x2000;
	s28 =	simm.s32 $0x2C80;
	s29 =	simm.s32 $0x2  }
0x8: {  	s4 =	sand.u32 $0x1, s3;
	s5 =	sshll.u32 s5, $0x1;
	s3 =	simm.s32 $0x0  }
0x9: {  	s30 =	simm.s32 $0x0;
	s16 =	sor.u32 s4, s5;
	[smem:$0x7FF] =	sst s3  }
0xa: {  	s25 =	ssub.s32 $0x2, s4;
	s14 =	sshll.u32 s16, $0x7;
	_ =	strace $0x80000047  }
0xb: {  	s6 =	sshrl.u32 s25, $0x1;
	s31 =	sshll.u32 s16, $0x4;
	s4 =	sadd.s32 s0, s14  }
0xc: {  	s26 =	ssub.s32 s25, s6;
	s13 =	sadd.s32 s1, s14;
	s14 =	sadd.s32 s2, s14  }
0xd: {  	s15 =	sadd.s32 s15, s31;
	s25 =	simm.s32 $0x2C00;
	s5 =	sadd.s32 $0x1000, s4  }
0xe: {  	s6 =	sadd.s32 $0x2000, s4;
	s7 =	sadd.s32 $0x3000, s4;
	s8 =	sadd.s32 $0x4000, s4  }
0xf: {  	s9 =	sadd.s32 $0x5000, s4;
	s10 =	sadd.s32 $0x6000, s4;
	s11 =	sadd.s32 $0x7000, s4  }
0x10: {  	v0 =	vimm.f32 $0.0e+00;
	vm0 =	vcmask $0x300;
	vm1 =	vcmask $0x704;
	s12 =	sadd.s32 $0x8000, s4;
	s16 =	smax.u32 s26, $0x1;
	s26 =	simm.s32 $0x1  }
.LBB2_1:
0x11: {  	[tilespmem:s3], [sflag:$0x1] =	stream.linear.gather [hbm4b:s4+s3], $0x400, $0x38;
	[tilespmem:$0x2D00] =	vst v63  }
0x12: {  	s0 =	simm.s32 $0x400  }
0x13: {  	[tilespmem:s0], [sflag:$0x1] =	stream.linear.gather [hbm4b:s5+s3], $0x400, $0x38;
	[tilespmem:$0x2D00] =	vst v63  }
0x14: {  	_ = 	snop  }
0x15: {  	[tilespmem:s18], [sflag:$0x1] =	stream.linear.gather [hbm4b:s6+s3], $0x400, $0x38;
	[tilespmem:$0x2D00] =	vst v63  }
0x16: {  	_ = 	snop  }
0x17: {  	[tilespmem:s19], [sflag:$0x1] =	stream.linear.gather [hbm4b:s7+s3], $0x400, $0x38;
	[tilespmem:$0x2D00] =	vst v63  }
0x18: {  	_ = 	snop  }
0x19: {  	[tilespmem:s20], [sflag:$0x1] =	stream.linear.gather [hbm4b:s8+s3], $0x400, $0x38;
	[tilespmem:$0x2D00] =	vst v63  }
0x1a: {  	_ = 	snop  }
0x1b: {  	[tilespmem:s21], [sflag:$0x1] =	stream.linear.gather [hbm4b:s9+s3], $0x400, $0x38;
	[tilespmem:$0x2D00] =	vst v63  }
0x1c: {  	_ = 	snop  }
0x1d: {  	[tilespmem:s22], [sflag:$0x1] =	stream.linear.gather [hbm4b:s10+s3], $0x400, $0x38;
	[tilespmem:$0x2D00] =	vst v63  }
0x1e: {  	_ = 	snop  }
0x1f: {  	[tilespmem:s23], [sflag:$0x1] =	stream.linear.gather [hbm4b:s11+s3], $0x400, $0x38;
	[tilespmem:$0x2D00] =	vst v63  }
0x20: {  	_ = 	snop  }
0x21: {  	[tilespmem:s24], [sflag:$0x1] =	stream.linear.gather [hbm4b:s12+s3], $0x400, $0x38;
	[tilespmem:$0x2D00] =	vst v63  }
0x22: {  	s0 =	simm.s32 $0x2400  }
0x23: {  	[tilespmem:s0], [sflag:$0x1] =	stream.linear.gather [hbm4b:s13+s3], $0x400, $0x38;
	[tilespmem:$0x2D00] =	vst v63  }
0x24: {  	s1 =	simm.s32 $0x2800  }
0x25: {  	[tilespmem:s1], [sflag:$0x1] =	stream.linear.gather [hbm4b:s14+s3], $0x400, $0x38;
	[tilespmem:$0x2D00] =	vst v63  }
0x26: {  	s2 =	rddreg [dreg:$0x3]  }
0x27: {  	[tilespmem:s25], [sflag:$0x1] =	stream.linear.gather [hbm4b:s2+s3], $0x9, $0x38;
	[tilespmem:$0x2D00] =	vst v63  }
0x28: {  	_ =	swait.ge [sflag:s26], $0x400  }
0x29: {  	[sflag:s26] =	ssyncset.done $0x0  }
0x2a: {  	[sflag:s26] =	ssyncadd.s32 $0xFFFFFC00  }
0x2b: {  	_ =	swait.ge [sflag:s26], $0x400  }
0x2c: {  	[sflag:s26] =	ssyncset.done $0x0  }
0x2d: {  	[sflag:s26] =	ssyncadd.s32 $0xFFFFFC00  }
0x2e: {  	_ =	swait.ge [sflag:s26], $0x400  }
0x2f: {  	[sflag:s26] =	ssyncset.done $0x0  }
0x30: {  	[sflag:s26] =	ssyncadd.s32 $0xFFFFFC00  }
0x31: {  	_ =	swait.ge [sflag:s26], $0x400  }
0x32: {  	[sflag:s26] =	ssyncset.done $0x0  }
0x33: {  	[sflag:s26] =	ssyncadd.s32 $0xFFFFFC00  }
0x34: {  	_ =	swait.ge [sflag:s26], $0x400  }
0x35: {  	[sflag:s26] =	ssyncset.done $0x0  }
0x36: {  	[sflag:s26] =	ssyncadd.s32 $0xFFFFFC00  }
0x37: {  	_ =	swait.ge [sflag:s26], $0x400  }
0x38: {  	[sflag:s26] =	ssyncset.done $0x0  }
0x39: {  	[sflag:s26] =	ssyncadd.s32 $0xFFFFFC00  }
0x3a: {  	_ =	swait.ge [sflag:s26], $0x400  }
0x3b: {  	[sflag:s26] =	ssyncset.done $0x0  }
0x3c: {  	[sflag:s26] =	ssyncadd.s32 $0xFFFFFC00  }
0x3d: {  	_ =	swait.ge [sflag:s26], $0x400  }
0x3e: {  	[sflag:s26] =	ssyncset.done $0x0  }
0x3f: {  	[sflag:s26] =	ssyncadd.s32 $0xFFFFFC00  }
0x40: {  	_ =	swait.ge [sflag:s26], $0x400  }
0x41: {  	[sflag:s26] =	ssyncset.done $0x0  }
0x42: {  	[sflag:s26] =	ssyncadd.s32 $0xFFFFFC00  }
0x43: {  	_ =	swait.ge [sflag:s26], $0x400  }
0x44: {  	[sflag:s26] =	ssyncset.done $0x0  }
0x45: {  	[sflag:s26] =	ssyncadd.s32 $0xFFFFFC00  }
0x46: {  	_ =	swait.ge [sflag:s26], $0x400  }
0x47: {  	[sflag:s26] =	ssyncset.done $0x0  }
0x48: {  	[sflag:s26] =	ssyncadd.s32 $0xFFFFFC00  }
0x49: {  	_ =	swait.ge [sflag:s26], $0x9  }
0x4a: {  	[sflag:s26] =	ssyncset.done $0x0  }
0x4b: {  	[sflag:s26] =	ssyncadd.s32 $0xFFFFFFF7  }
0x4c: {  	v1 =	vld [tilespmem:$0x2C00]  }
0x4d: {  	s17 =	sand.u32 $0x3F0, s3;
	v5 =	vld [tilespmem:s3+$0x0]  }
0x4e: {  	v14 =	vld [tilespmem:s17+$0x400]  }
0x4f: {  	v11 =	vld [tilespmem:s1+$0x0]  }
0x50: {  	v17 =	vld [tilespmem:s0+$0x0]  }
0x51: {  	v6 =	vbroadcast v1, $0x1;
	v7 =	vbroadcast v1, $0x2  }
0x52: {  	v15 =	vld [tilespmem:s17+$0x800];
	v8 =	vbroadcast v1, $0x3;
	v9 =	vbroadcast v1, $0x4  }
0x53: {  	v16 =	vld [tilespmem:s17+$0xC00];
	v3 =	vbroadcast v1, $0x5;
	v2 =	vbroadcast v1, $0x6;
	v10 =	vmax.f32 v5, v14  }
0x54: {  	v13 =	vld [tilespmem:s17+$0x1000];
	v4 =	vbroadcast v1, $0x7;
	v12 =	vadd.f32 $0.0e+00, v1;
	vm2 =	veq.f32 v11, $1.000000000e+00  }
0x55: {  	v18 =	vld [tilespmem:s17+$0x1400];
	vm8 =	veq.s32 v17, $0x0;
	vm9 =	veq.s32 v17, $0x1;
	vm6 =	veq.s32 v17, $0x2  }
0x56: {  	v19 =	vld [tilespmem:s17+$0x1800];
	vm5 =	veq.s32 v17, $0x3;
	vm4 =	veq.s32 v17, $0x4;
	vm3 =	veq.s32 v17, $0x5  }
0x57: {  	v20 =	vld [tilespmem:s17+$0x1C00];
	vm7 =	veq.s32 v17, $0x8;
	vm15 =	veq.s32 v17, $0x7;
	v21 =	vmax.f32 v10, v15  }
0x58: {  	v22 =	vld [tilespmem:s17+$0x2000];
	v10 =	vbroadcast v1, $0x8;
	v1 =	vsel vm2, $0x3F800000, v0;
	v21 =	vmax.f32 v21, v16  }
0x59: {  	v24 =	vnsel vm9, $0x0, v14;
	v11 =	vbroadcast v12, $0x0;
	v12 =	vmax.f32 v21, v13  }
0x5a: {  	v25 =	vnsel vm5, $0x0, v16;
	v21 =	vadd.f32 $0.0e+00, v5;
	v12 =	vmax.f32 v12, v18  }
0x5b: {  	v26 =	vnsel vm4, $0x0, v13;
	v23 =	vadd.f32 v1, v0;
	v12 =	vmax.f32 v12, v19  }
0x5c: {  	v30 =	vnsel vm8, $0x0, v11;
	v21 =	vnsel vm8, $0x0, v21;
	v12 =	vmax.f32 v12, v20  }
0x5d: {  	v21 =	vadd.f32 v24, v21;
	v24 =	vnsel vm9, $0x0, v6;
	v12 =	vmax.f32 v12, v22  }
0x5e: {  	vm2 =	veq.s32 v17, $0x6;
	v24 =	vadd.f32 v24, v30;
	v5 =	vsub.f32 v5, v12  }
0x5f: {  	v34 =	vnsel vm2, $0x0, v2;
	v27 =	vsub.f32 v15, v12;
	v16 =	vsub.f32 v16, v12  }
0x60: {  	v14 =	vsub.f32 v14, v12;
	v28 =	vsub.f32 v18, v12;
	v15 =	vnsel vm6, $0x0, v15  }
0x61: {  	v29 =	vsub.f32 v20, v12;
	v13 =	vsub.f32 v13, v12;
	v18 =	vnsel vm3, $0x0, v18  }
0x62: {  	v17 =	vsub.f32 v22, v12;
	v20 =	vnsel vm15, $0x0, v20;
	v15 =	vadd.f32 v15, v21  }
0x63: {  	v21 =	vnsel vm7, $0x0, v22;
	v5 =	vmul.f32 $1.442695020e+00, v5;
	v27 =	vmul.f32 $1.442695020e+00, v27  }
0x64: {  	v22 =	vnsel vm6, $0x0, v7;
	v28 =	vmul.f32 $1.442695020e+00, v28;
	v14 =	vmul.f32 $1.442695020e+00, v14  }
0x65: {  	v13 =	vmul.f32 $1.442695020e+00, v13;
	v17 =	vmul.f32 $1.442695020e+00, v17;
	v15 =	vadd.f32 v25, v15  }
0x66: {  	s2 =	simm.s32 $0x2810;
	v16 =	vmul.f32 $1.442695020e+00, v16;
	v22 =	vadd.f32 v24, v22;
	(erf) = vpow2.f32 v5  }
0x67: {  	s1 =	simm.s32 $0x10;
	v25 =	vld [tilespmem:s2+$0x0];
	v5 =	vsub.f32 v19, v12;
	(erf) = vpow2.f32 v27;
	v15 =	vadd.f32 v26, v15  }
0x68: {  	s0 =	sand.u32 $0x3F0, s1;
	v19 =	vnsel vm2, $0x0, v19;
	v27 =	vmul.f32 $1.442695020e+00, v29;
	(erf) = vpow2.f32 v14;
	v14 =	vld [tilespmem:s1+$0x0]  }
0x69: {  	v26 =	vnsel vm5, $0x0, v8;
	(erf) = vpow2.f32 v28;
	v15 =	vadd.f32 v18, v15;
	v18 =	vld [tilespmem:s0+$0x400]  }
0x6a: {  	s17 =	simm.s32 $0x2410;
	v29 =	vnsel vm7, $0x0, v10;
	(erf) = vpow2.f32 v13;
	v13 =	vadd.f32 v22, v26;
	v22 =	vld [tilespmem:s0+$0x800]  }
0x6b: {  	v5 =	vmul.f32 $1.442695020e+00, v5;
	v28 =	vnsel vm4, $0x0, v9;
	v26 =	vld [tilespmem:s17+$0x0];
	(erf) = vpow2.f32 v17  }
0x6c: {  	v15 =	vadd.f32 v19, v15;
	v19 =	vnsel vm3, $0x0, v3;
	vm3 =	veq.f32 v25, $1.000000000e+00  }
0x6d: {  	(erf) = vpow2.f32 v27;
	v13 =	vadd.f32 v13, v28;
	v28 =	vnsel vm15, $0x0, v4  }
0x6e: {  	v30 =	vadd.f32 $0.0e+00, v14;
	v15 =	vadd.f32 v20, v15;
	v25 =	vmax.f32 v14, v18  }
0x6f: {  	v17 =	vld [tilespmem:s0+$0xC00];
	v19 =	vadd.f32 v13, v19;
	v27 =	vpop (erf);
	(erf) = vpow2.f32 v5;
	v5 =	vsel vm3, $0x3F800000, v0  }
0x70: {  	v24 =	vld [tilespmem:s0+$0x1000];
	v25 =	vmax.f32 v25, v22;
	vm7 =	veq.s32 v26, $0x0;
	vm12 =	veq.s32 v26, $0x1  }
0x71: {  	v31 =	vld [tilespmem:s0+$0x1400];
	vm4 =	veq.s32 v26, $0x2;
	vm6 =	veq.s32 v26, $0x3;
	vm3 =	veq.s32 v26, $0x5  }
0x72: {  	vm5 =	veq.s32 v26, $0x4;
	vm13 =	veq.s32 v26, $0x8;
	v32 =	vpop (erf);
	(erf) = vpow2.f32 v16;
	v16 =	vld [tilespmem:s0+$0x1800]  }
0x73: {  	v35 =	vld [tilespmem:s0+$0x1C00];
	vm2 =	veq.s32 v26, $0x6;
	v15 =	vadd.f32 v21, v15;
	v37 =	vadd.f32 v5, v23  }
0x74: {  	v36 =	vld [tilespmem:s0+$0x2000];
	v25 =	vmax.f32 v25, v17;
	v30 =	vnsel vm7, $0x0, v30;
	v38 =	vnsel vm12, $0x0, v18  }
0x75: {  	v39 =	vnsel vm6, $0x0, v17;
	v42 =	vnsel vm5, $0x0, v24;
	v13 =	vmax.f32 v25, v24  }
0x76: {  	v45 =	vnsel vm7, $0x0, v11;
	v19 =	vadd.f32 v19, v34;
	v33 =	vpop (erf);
	v13 =	vmax.f32 v13, v31  }
0x77: {  	v51 =	vnsel vm12, $0x0, v6;
	v23 =	vadd.f32 v33, v27;
	v13 =	vmax.f32 v13, v16  }
0x78: {  	v30 =	vadd.f32 v38, v30;
	v19 =	vadd.f32 v19, v28;
	v13 =	vmax.f32 v13, v35  }
0x79: {  	v23 =	vadd.f32 v23, v32;
	v32 =	vadd.f32 v51, v45;
	v13 =	vmax.f32 v13, v36  }
0x7a: {  	vm7 =	veq.s32 v26, $0x7;
	v25 =	vpop (erf);
	v29 =	vadd.f32 v19, v29;
	v14 =	vsub.f32 v14, v13  }
0x7b: {  	v21 =	vnsel vm5, $0x0, v9;
	v27 =	vpop (erf);
	v43 =	vsub.f32 v22, v13;
	v17 =	vsub.f32 v17, v13  }
0x7c: {  	v38 =	vnsel vm2, $0x0, v2;
	v63 =	vpop (erf);
	v18 =	vsub.f32 v18, v13;
	v49 =	vsub.f32 v31, v13  }
0x7d: {  	v52 =	vnsel vm2, $0x0, v16;
	v40 =	vpop (erf);
	v44 =	vsub.f32 v16, v13;
	v50 =	vsub.f32 v35, v13  }
0x7e: {  	v41 =	vpop (erf);
	v24 =	vsub.f32 v24, v13;
	v31 =	vnsel vm3, $0x0, v31;
	v14 =	vmul.f32 $1.442695020e+00, v14  }
0x7f: {  	v26 =	vsub.f32 v36, v13;
	v47 =	vpop (erf);
	v48 =	vmul.f32 $1.442695020e+00, v43;
	v43 =	vmul.f32 $1.442695020e+00, v50  }
0x80: {  	v23 =	vadd.f32 v23, v47;
	v16 =	vmul.f32 $1.442695020e+00, v18;
	v24 =	vmul.f32 $1.442695020e+00, v24  }
0x81: {  	v18 =	vnsel vm13, $0x0, v36;
	v26 =	vmul.f32 $1.442695020e+00, v26;
	v20 =	vmul.f32 $1.442695020e+00, v17  }
0x82: {  	(erf) = vpow2.f32 v14;
	v14 =	vnsel vm4, $0x0, v22;
	v27 =	vadd.f32 v23, v27  }
0x83: {  	s1 =	simm.s32 $0x20;
	v54 =	vmul.f32 $1.442695020e+00, v44;
	(erf) = vpow2.f32 v48;
	v14 =	vadd.f32 v14, v30  }
0x84: {  	v22 =	vmul.f32 $1.442695020e+00, v49;
	v30 =	vld [tilespmem:s1+$0x0];
	(erf) = vpow2.f32 v16;
	v16 =	vadd.f32 v27, v25  }
0x85: {  	s17 =	simm.s32 $0x2420;
	v23 =	vnsel vm7, $0x0, v35;
	v25 =	vnsel vm4, $0x0, v7;
	v14 =	vadd.f32 v39, v14  }
0x86: {  	(erf) = vpow2.f32 v22;
	v22 =	vadd.f32 v32, v25;
	v32 =	vld [tilespmem:s17+$0x0];
	v17 =	vadd.f32 v16, v41  }
0x87: {  	v27 =	vnsel vm6, $0x0, v8;
	v16 =	vnsel vm13, $0x0, v10;
	v14 =	vadd.f32 v42, v14  }
0x88: {  	(erf) = vpow2.f32 v24;
	v24 =	vnsel vm3, $0x0, v3;
	v17 =	vadd.f32 v17, v40  }
0x89: {  	(erf) = vpow2.f32 v26;
	v53 =	vadd.f32 $0.0e+00, v30;
	v28 =	vadd.f32 v31, v14  }
0x8a: {  	s0 =	sand.u32 $0x3F0, s1;
	(erf) = vpow2.f32 v43;
	v14 =	vsub.f32 v15, v12;
	v15 =	vadd.f32 v22, v27  }
0x8b: {  	s2 =	simm.s32 $0x2820;
	v26 =	vld [tilespmem:s0+$0x400];
	v31 =	vnsel vm7, $0x0, v4;
	v25 =	vadd.f32 v17, v63;
	vm14 =	veq.s32 v32, $0x0  }
0x8c: {  	v12 =	vld [tilespmem:s2+$0x0];
	vm4 =	veq.s32 v32, $0x1;
	vm5 =	veq.s32 v32, $0x2;
	vm6 =	veq.s32 v32, $0x3  }
0x8d: {  	vm7 =	veq.s32 v32, $0x4;
	vm15 =	veq.s32 v32, $0x8;
	v27 =	vadd.f32 v52, v28;
	v28 =	vld [tilespmem:s0+$0x800]  }
0x8e: {  	v19 =	vld [tilespmem:s0+$0xC00];
	vm3 =	veq.s32 v32, $0x6;
	v22 =	vmul.f32 $1.442695020e+00, v14;
	v21 =	vadd.f32 v15, v21  }
0x8f: {  	v56 =	vld [tilespmem:s0+$0x1000];
	v55 =	vpop (erf);
	v33 =	vnsel vm14, $0x0, v53;
	v17 =	vand.u32 $0x7FFFFF, v25;
	(erf) = vrcp.f32 v25  }
0x90: {  	v34 =	vld [tilespmem:s0+$0x1400];
	v58 =	vpop (erf);
	v60 =	vmax.f32 v30, v26;
	v15 =	vor.u32 $0x3F800000, v17;
	(erf) = vpow2.f32 v54  }
0x91: {  	v59 =	vpop (erf);
	v40 =	vadd.f32 v21, v24;
	vm2 =	veq.f32 v12, $1.000000000e+00;
	(erf) = vpow2.f32 v20;
	v20 =	vld [tilespmem:s0+$0x1800]  }
0x92: {  	v42 =	vld [tilespmem:s0+$0x1C00];
	v17 =	vadd.f32 $-1.500000000e+00, v15;
	v15 =	vsel vm2, $0x3F800000, v0;
	v21 =	vmax.f32 v60, v28  }
0x93: {  	v47 =	vnsel vm6, $0x0, v19;
	v12 =	vadd.f32 v15, v37;
	v37 =	vld [tilespmem:s0+$0x2000];
	v21 =	vmax.f32 v21, v19  }
0x94: {  	v50 =	vnsel vm7, $0x0, v56;
	v61 =	vnsel vm4, $0x0, v26;
	v21 =	vmax.f32 v21, v56  }
0x95: {  	v44 =	vshra.s32 v25, $0x17;
	v33 =	vadd.f32 v61, v33;
	v21 =	vmax.f32 v21, v34  }
0x96: {  	v27 =	vadd.f32 v23, v27;
	v35 =	vadd.f32 v59, v55;
	v43 =	vpop (erf);
	v21 =	vmax.f32 v21, v20  }
0x97: {  	v45 =	vpop (erf);
	(erf) = vpow2.f32 v22;
	v24 =	vmul.f32 $-6.151544860e-03, v17;
	v21 =	vmax.f32 v21, v42  }
0x98: {  	v55 =	vnsel vm14, $0x0, v11;
	v22 =	vpop (erf);
	v35 =	vadd.f32 v35, v58;
	v21 =	vmax.f32 v21, v37  }
0x99: {  	vm2 =	veq.s32 v32, $0x5;
	v46 =	vpop (erf);
	v24 =	vadd.f32 $1.024394850e-02, v24;
	v30 =	vsub.f32 v30, v21  }
0x9a: {  	v58 =	vnsel vm4, $0x0, v6;
	v48 =	vpop (erf);
	v51 =	vsub.f32 v28, v21;
	v39 =	vsub.f32 v19, v21  }
0x9b: {  	vm4 =	veq.s32 v32, $0x7;
	v49 =	vpop (erf);
	v19 =	vsub.f32 v26, v21;
	v57 =	vsub.f32 v34, v21  }
0x9c: {  	v62 =	vpop (erf);
	v26 =	vmul.f32 v24, v17;
	v24 =	vsub.f32 v20, v21;
	v54 =	vsub.f32 v56, v21  }
0x9d: {  	v56 =	vadd.s32 $0xFFFFFF81, v44;
	v52 =	vadd.f32 v35, v62;
	v62 =	vsub.f32 v37, v21  }
0x9e: {  	v35 =	vnsel vm5, $0x0, v7;
	v30 =	vmul.f32 $1.442695020e+00, v30;
	v63 =	vmul.f32 $1.442695020e+00, v51  }
0x9f: {  	v53 =	vadd.f32 $-1.433830990e-02, v26;
	v51 =	vmul.f32 $1.442695020e+00, v57;
	v26 =	vnsel vm3, $0x0, v20  }
0xa0: {  	v61 =	vpop (erf);
	v59 =	vmul.f32 $1.442695020e+00, v19;
	v19 =	vnsel vm15, $0x0, v37;
	v41 =	vmul.f32 $1.442695020e+00, v54  }
0xa1: {  	v25 =	vsub.f32 v25, v61;
	v39 =	vmul.f32 $1.442695020e+00, v39;
	v60 =	vmul.f32 v53, v17  }
0xa2: {  	v61 =	vcvt.s32.f32 v56;
	(erf) = vpow2.f32 v30;
	v30 =	vnsel vm5, $0x0, v28  }
0xa3: {  	v28 =	vsub.f32 v42, v21;
	(erf) = vpow2.f32 v63;
	v54 =	vadd.f32 $2.596728500e-02, v60  }
0xa4: {  	v20 =	vnsel vm4, $0x0, v42;
	v42 =	vmul.f32 $1.442695020e+00, v62;
	(erf) = vpow2.f32 v59  }
0xa5: {  	v36 =	vmul.f32 $1.442695020e+00, v28;
	v28 =	vadd.f32 v58, v55;
	v58 =	vmul.f32 v54, v17  }
0xa6: {  	v57 =	vmul.f32 v48, v25;
	v30 =	vadd.f32 v30, v33;
	v63 =	vadd.f32 v40, v38  }
0xa7: {  	v25 =	vnsel vm15, $0x0, v10;
	v59 =	vadd.f32 v52, v45;
	v40 =	vadd.f32 $-4.940962420e-02, v58  }
0xa8: {  	v33 =	vnsel vm7, $0x0, v9;
	v60 =	vmul.f32 v57, v29;
	v30 =	vadd.f32 v47, v30  }
0xa9: {  	v55 =	vnsel vm2, $0x0, v34;
	v34 =	vnsel vm6, $0x0, v8;
	v43 =	vadd.f32 v59, v43  }
0xaa: {  	v29 =	vadd.f32 v63, v31;
	v23 =	vmul.f32 v60, v57;
	v47 =	vadd.f32 v50, v30  }
0xab: {  	v30 =	vadd.f32 v18, v27;
	v63 =	vadd.f32 v43, v49;
	v62 =	vmul.f32 v40, v17;
	v40 =	vpop (erf)  }
0xac: {  	s31 =	simm.s32 $0x30;
	v27 =	vmul.f32 $6.931471820e-01, v61;
	v32 =	vadd.f32 v55, v47;
	(erf) = vpow2.f32 v51;
	v31 =	vpop (erf)  }
0xad: {  	s1 =	simm.s32 $0x2430;
	s2 =	simm.s32 $0x30;
	s0 =	simm.s32 $0x2830;
	v18 =	vimm.f32 $0.0e+00;
	v38 =	vadd.f32 v63, v46;
	v37 =	vadd.f32 $9.879175570e-02, v62;
	v43 =	vpop (erf)  }
.LBB2_2:
0xae: {  	v44 =	vld [tilespmem:s2+$0x0];
	s17 =	sand.u32 $0x3F0, s31;
	p0 =	sne.s32 s31, $0x3F0;
	s31 =	sadd.s32 $0x10, s31;
	v28 =	vadd.f32 v28, v35;
	(erf) = vpow2.f32 v41;
	v41 =	vsub.f32 v30, v13;
	v13 =	vmovc v21  }
0xaf: {  	v30 =	vadd.f32 v29, v16;
	v16 =	vmovc v25;
	v21 =	vld [tilespmem:s0+$0x0];
	(erf) = vpow2.f32 v42;
	v35 =	vadd.f32 v38, v22  }
0xb0: {  	v29 =	vadd.f32 v26, v32;
	v25 =	vld [tilespmem:s17+$0x1000];
	v22 =	vadd.f32 v28, v34;
	v26 =	vmul.f32 $1.442695020e+00, v41  }
0xb1: {  	v34 =	vnsel vm2, $0x0, v3;
	v28 =	vld [tilespmem:s17+$0xC00];
	(erf) = vpow2.f32 v36;
	v36 =	vand.u32 $0x7FFFFF, v35  }
0xb2: {  	v32 =	vnsel vm4, $0x0, v4;
	v42 =	vld [tilespmem:s17+$0x800];
	v22 =	vadd.f32 v22, v33;
	v33 =	vor.u32 $0x3F800000, v36  }
0xb3: {  	v46 =	vnsel vm3, $0x0, v2;
	v38 =	vmul.f32 v37, v17;
	v45 =	vld [tilespmem:s1+$0x0];
	v36 =	vadd.f32 $0.0e+00, v44  }
0xb4: {  	vm2 =	veq.f32 v21, $1.000000000e+00;
	v47 =	vld [tilespmem:s17+$0x400];
	v21 =	vmul.f32 $1.442695020e+00, v24;
	v24 =	vadd.f32 $-1.500000000e+00, v33  }
0xb5: {  	v38 =	vadd.f32 $-2.222213750e-01, v38;
	v33 =	vsel vm2, $0x3F800000, v0;
	v48 =	vld [tilespmem:s17+$0x1C00];
	v37 =	vpop (erf);
	(erf) = vrcp.f32 v35  }
0xb6: {  	v40 =	vadd.f32 v43, v40;
	v49 =	vld [tilespmem:s17+$0x2000];
	v12 =	vadd.f32 v33, v12;
	(erf) = vpow2.f32 v21  }
0xb7: {  	v34 =	vadd.f32 v22, v34;
	v21 =	vmul.f32 v38, v17;
	v43 =	vld [tilespmem:s17+$0x1400];
	(erf) = vpow2.f32 v39;
	v50 =	vpop (erf)  }
0xb8: {  	v39 =	vshra.s32 v35, $0x17;
	vm8 =	veq.s32 v45, $0x0;
	vm4 =	veq.s32 v45, $0x1;
	v22 =	vpop (erf)  }
0xb9: {  	vm5 =	veq.s32 v45, $0x2;
	v21 =	vadd.f32 $6.666661500e-01, v21;
	v51 =	vld [tilespmem:s17+$0x1800];
	v53 =	vmax.f32 v44, v47  }
0xba: {  	v36 =	vnsel vm8, $0x0, v36;
	v52 =	vmax.f32 v53, v42;
	v38 =	vpop (erf);
	(erf) = vpow2.f32 v26  }
0xbb: {  	vm6 =	veq.s32 v45, $0x3;
	v21 =	vmul.f32 v21, v17;
	v17 =	vmovc v24;
	v26 =	vmax.f32 v52, v28  }
0xbc: {  	v52 =	vmul.f32 $-6.151544860e-03, v17;
	v24 =	vmax.f32 v26, v25;
	v26 =	vnsel vm4, $0x0, v47  }
0xbd: {  	v53 =	vnsel vm6, $0x0, v28;
	v21 =	vadd.f32 $4.054650960e-01, v21;
	v24 =	vmax.f32 v24, v43  }
0xbe: {  	vm2 =	veq.s32 v45, $0x5;
	v52 =	vadd.f32 $1.024394850e-02, v52;
	v24 =	vmax.f32 v24, v51;
	v54 =	vpop (erf)  }
0xbf: {  	vm7 =	veq.s32 v45, $0x4;
	v27 =	vadd.f32 v21, v27;
	v24 =	vmax.f32 v24, v48;
	v55 =	vpop (erf)  }
0xc0: {  	v56 =	vnsel vm7, $0x0, v25;
	v21 =	vmax.f32 v24, v49;
	v24 =	vadd.f32 v40, v31;
	v31 =	vpop (erf)  }
0xc1: {  	vm9 =	veq.s32 v45, $0x8;
	v27 =	vsub.f32 v27, v14;
	v14 =	vmovc v41;
	v40 =	vsub.f32 v44, v21  }
0xc2: {  	vm3 =	veq.s32 v45, $0x6;
	v41 =	vsub.f32 v42, v21;
	v44 =	vadd.f32 v24, v31  }
0xc3: {  	v31 =	vsub.f32 v28, v21;
	v23 =	vmul.f32 v27, v23;
	v24 =	vmul.f32 $1.442695020e+00, v40;
	v57 =	vpop (erf)  }
0xc4: {  	v27 =	vsub.f32 v47, v21;
	v28 =	vmul.f32 $1.442695020e+00, v41;
	v40 =	vmul.f32 v52, v17  }
0xc5: {  	v41 =	vsub.f32 v43, v21;
	v23 =	vmul.f32 v23, v1;
	v1 =	vmovc v5;
	v5 =	vmovc v15;
	(erf) = vpow2.f32 v24  }
0xc6: {  	v42 =	vnsel vm5, $0x0, v42;
	v15 =	vmovc v33;
	v24 =	vsub.f32 v51, v21;
	v40 =	vadd.f32 $-1.433830990e-02, v40  }
0xc7: {  	v33 =	vsub.f32 v48, v21;
	v47 =	vmul.f32 $1.442695020e+00, v41;
	v18 =	vadd.f32 v23, v18  }
0xc8: {  	v23 =	vsub.f32 v25, v21;
	v25 =	vnsel vm8, $0x0, v11;
	(erf) = vpow2.f32 v28  }
0xc9: {  	v52 =	vadd.f32 v26, v36;
	v26 =	vnsel vm3, $0x0, v51;
	v28 =	vnsel vm4, $0x0, v6  }
0xca: {  	v43 =	vnsel vm2, $0x0, v43;
	v36 =	vmul.f32 $1.442695020e+00, v33;
	v28 =	vadd.f32 v28, v25  }
0xcb: {  	v33 =	vmul.f32 v40, v17;
	v25 =	vmul.f32 $1.442695020e+00, v27;
	v27 =	vnsel vm9, $0x0, v49  }
0xcc: {  	v41 =	vmul.f32 $1.442695020e+00, v23;
	v23 =	vadd.f32 v42, v52;
	vm4 =	veq.s32 v45, $0x7  }
0xcd: {  	v46 =	vadd.f32 v34, v46;
	v42 =	vsub.f32 v49, v21;
	v45 =	vnsel vm4, $0x0, v48  }
0xce: {  	v33 =	vadd.f32 $2.596728500e-02, v33;
	v40 =	vpop (erf);
	(erf) = vpow2.f32 v25;
	v25 =	vsub.f32 v35, v57  }
0xcf: {  	v48 =	vadd.s32 $0xFFFFFF81, v39;
	v42 =	vmul.f32 $1.442695020e+00, v42;
	v35 =	vnsel vm5, $0x0, v7  }
0xd0: {  	v34 =	vnsel vm6, $0x0, v8;
	v51 =	vmul.f32 v33, v17;
	v49 =	vmul.f32 v54, v25  }
0xd1: {  	v44 =	vadd.f32 v44, v50;
	v39 =	vmul.f32 $1.442695020e+00, v31;
	v25 =	vnsel vm9, $0x0, v10;
	v31 =	vpop (erf)  }
0xd2: {  	v33 =	vnsel vm7, $0x0, v9;
	v50 =	vadd.f32 $-4.940962420e-02, v51;
	v30 =	vmul.f32 v49, v30  }
.Ltmp0:
0xd3: {  	v37 =	vadd.f32 v44, v37;
	v23 =	vadd.f32 v53, v23;
	v44 =	vcvt.s32.f32 v48;
	(pc) =	sbr.rel @p0 .LBB2_2-.Ltmp0, $4  }
0xd4: {  	v48 =	vadd.f32 v20, v29;
	v29 =	vadd.f32 v46, v32;
	v20 =	vmovc v45;
	v32 =	vmul.f32 v50, v17  }
0xd5: {  	v46 =	vadd.f32 v37, v55;
	v45 =	vadd.f32 v56, v23;
	v23 =	vmul.f32 v30, v49  }
0xd6: {  	v37 =	vadd.f32 $9.879175570e-02, v32;
	v30 =	vadd.f32 v19, v48;
	v19 =	vmovc v27;
	(erf) = vpow2.f32 v47  }
0xd7: {  	s2 =	sadd.s32 $0x10, s2;
	s0 =	sadd.s32 $0x10, s0;
	s1 =	sadd.s32 $0x10, s1;
	v38 =	vadd.f32 v46, v38;
	v32 =	vadd.f32 v43, v45;
	v27 =	vmul.f32 $6.931471820e-01, v44;
	v43 =	vpop (erf)  }
0xd8: {  	(erf) = vpow2.f32 v41  }
0xd9: {  	(erf) = vpow2.f32 v42;
	v6 =	vadd.f32 v38, v22  }
0xda: {  	v7 =	vmul.f32 $1.442695020e+00, v24;
	(erf) = vpow2.f32 v36  }
0xdb: {  	(erf) = vrcp.f32 v6  }
0xdc: {  	(erf) = vpow2.f32 v7  }
0xdd: {  	(erf) = vpow2.f32 v39;
	_ =	sdelay $0x2  }
0xde: {  	v44 =	vpop (erf)  }
0xdf: {  	v8 =	vpop (erf)  }
0xe0: {  	v9 =	vpop (erf)  }
0xe1: {  	v10 =	vadd.f32 v43, v40;
	v11 =	vpop (erf)  }
0xe2: {  	v45 =	vpop (erf)  }
0xe3: {  	v10 =	vadd.f32 v10, v31;
	v46 =	vpop (erf)  }
0xe4: {  	v47 =	vpop (erf)  }
0xe5: {  	v10 =	vadd.f32 v10, v47;
	_ =	sdelay $0x1  }
0xe6: {  	v8 =	vadd.f32 v10, v8;
	_ =	sdelay $0x1  }
0xe7: {  	v7 =	vadd.f32 v8, v44;
	_ =	sdelay $0x1  }
0xe8: {  	v7 =	vadd.f32 v7, v46;
	_ =	sdelay $0x1  }
0xe9: {  	v7 =	vadd.f32 v7, v11;
	_ =	sdelay $0x1  }
0xea: {  	v48 =	vand.u32 $0x7FFFFF, v6;
	v7 =	vadd.f32 v7, v9  }
0xeb: {  	v8 =	vor.u32 $0x3F800000, v48  }
0xec: {  	v8 =	vadd.f32 $-1.500000000e+00, v8;
	v9 =	vand.u32 $0x7FFFFF, v7  }
0xed: {  	v9 =	vor.u32 $0x3F800000, v9  }
0xee: {  	v49 =	vmul.f32 $-6.151544860e-03, v8;
	v9 =	vadd.f32 $-1.500000000e+00, v9;
	_ =	sdelay $0x1  }
0xef: {  	v10 =	vadd.f32 $1.024394850e-02, v49;
	v50 =	vmul.f32 $-6.151544860e-03, v9;
	_ =	sdelay $0x1  }
0xf0: {  	v10 =	vmul.f32 v10, v8;
	v11 =	vadd.f32 $1.024394850e-02, v50;
	_ =	sdelay $0x1  }
0xf1: {  	v10 =	vadd.f32 $-1.433830990e-02, v10;
	v11 =	vmul.f32 v11, v9;
	_ =	sdelay $0x1  }
0xf2: {  	v10 =	vmul.f32 v10, v8;
	v11 =	vadd.f32 $-1.433830990e-02, v11;
	_ =	sdelay $0x1  }
0xf3: {  	v26 =	vadd.f32 v26, v32;
	v10 =	vadd.f32 $2.596728500e-02, v10;
	v11 =	vmul.f32 v11, v9  }
0xf4: {  	v51 =	vmul.f32 v37, v17;
	v13 =	vsub.f32 v30, v13  }
0xf5: {  	v20 =	vadd.f32 v20, v26;
	v10 =	vmul.f32 v10, v8;
	v11 =	vadd.f32 $2.596728500e-02, v11  }
0xf6: {  	v24 =	vadd.f32 $-2.222213750e-01, v51;
	v30 =	vmul.f32 $1.442695020e+00, v13  }
0xf7: {  	v19 =	vadd.f32 v19, v20;
	v10 =	vadd.f32 $-4.940962420e-02, v10;
	v11 =	vmul.f32 v11, v9  }
0xf8: {  	v52 =	vadd.f32 v28, v35;
	v24 =	vmul.f32 v24, v17;
	(erf) = vpow2.f32 v30  }
0xf9: {  	v19 =	vsub.f32 v19, v21;
	v10 =	vmul.f32 v10, v8;
	v11 =	vadd.f32 $-4.940962420e-02, v11  }
0xfa: {  	v3 =	vnsel vm2, $0x0, v3;
	v20 =	vadd.f32 v52, v34;
	v24 =	vadd.f32 $6.666661500e-01, v24  }
0xfb: {  	v21 =	vmul.f32 $1.442695020e+00, v19;
	v10 =	vadd.f32 $9.879175570e-02, v10;
	v11 =	vmul.f32 v11, v9  }
0xfc: {  	v20 =	vadd.f32 v20, v33;
	v53 =	vmul.f32 v24, v17;
	(erf) = vrcp.f32 v7  }
0xfd: {  	(erf) = vpow2.f32 v21;
	v10 =	vmul.f32 v10, v8;
	v11 =	vadd.f32 $9.879175570e-02, v11  }
0xfe: {  	v2 =	vnsel vm3, $0x0, v2;
	v3 =	vadd.f32 v20, v3  }
0xff: {  	v17 =	vadd.f32 $4.054650960e-01, v53;
	v10 =	vadd.f32 $-2.222213750e-01, v10;
	v11 =	vmul.f32 v11, v9  }
0x100: {  	v16 =	vadd.f32 v29, v16;
	v4 =	vnsel vm4, $0x0, v4;
	v2 =	vadd.f32 v3, v2  }
0x101: {  	v17 =	vadd.f32 v17, v27;
	v54 =	vpop (erf);
	v10 =	vmul.f32 v10, v8;
	v11 =	vadd.f32 $-2.222213750e-01, v11  }
0x102: {  	v2 =	vadd.f32 v2, v4;
	v20 =	vsub.f32 v6, v54;
	v6 =	vshra.s32 v6, $0x17  }
0x103: {  	v6 =	vadd.s32 $0xFFFFFF81, v6;
	v3 =	vadd.f32 $6.666661500e-01, v10;
	v11 =	vmul.f32 v11, v9  }
0x104: {  	v55 =	vmul.f32 v45, v20;
	v6 =	vcvt.s32.f32 v6;
	v56 =	vshra.s32 v7, $0x17  }
0x105: {  	v4 =	vadd.s32 $0xFFFFFF81, v56;
	v57 =	vpop (erf);
	v3 =	vmul.f32 v3, v8;
	v11 =	vadd.f32 $6.666661500e-01, v11  }
0x106: {  	v14 =	vsub.f32 v17, v14;
	v6 =	vmul.f32 $6.931471820e-01, v6;
	v4 =	vcvt.s32.f32 v4;
	v58 =	vpop (erf)  }
0x107: {  	v7 =	vsub.f32 v7, v58;
	v3 =	vadd.f32 $4.054650960e-01, v3;
	v9 =	vmul.f32 v11, v9  }
0x108: {  	v2 =	vadd.f32 v2, v25;
	v59 =	vmul.f32 v55, v16;
	v4 =	vmul.f32 $6.931471820e-01, v4  }
0x109: {  	v60 =	vmul.f32 v57, v7;
	v3 =	vadd.f32 v3, v6;
	v61 =	vadd.f32 $4.054650960e-01, v9  }
0x10a: {  	v62 =	vmul.f32 v14, v23;
	v63 =	vmul.f32 v59, v55  }
0x10b: {  	v2 =	vmul.f32 v60, v2;
	v3 =	vsub.f32 v3, v13;
	v4 =	vadd.f32 v61, v4  }
0x10c: {  	v1 =	vmul.f32 v62, v1  }
0x10d: {  	v2 =	vmul.f32 v2, v60;
	v3 =	vmul.f32 v3, v63;
	v4 =	vsub.f32 v4, v19;
	_ =	sdelay $0x1  }
0x10e: {  	v1 =	vadd.f32 v1, v18;
	v3 =	vmul.f32 v3, v5;
	v2 =	vmul.f32 v4, v2;
	_ =	sdelay $0x1  }
0x10f: {  	v1 =	vadd.f32 v3, v1;
	v2 =	vmul.f32 v2, v15;
	_ =	sdelay $0x1  }
0x110: {  	v1 =	vadd.f32 v2, v1;
	_ =	sdelay $0x1  }
0x111: {  	(v2sf) =	vpush v1, $0x0  }
0x112: {  	(v2sf) =	vpush v12, $0x0  }
0x113: {  	(v2sf) =	vpush v1, $0x1  }
0x114: {  	(v2sf) =	vpush v12, $0x1  }
0x115: {  	(v2sf) =	vpush v1, $0x2  }
0x116: {  	(v2sf) =	vpush v12, $0x2  }
0x117: {  	(v2sf) =	vpush v1, $0x3  }
0x118: {  	(v2sf) =	vpush v12, $0x3  }
0x119: {  	(v2sf) =	vpush v1, $0x4  }
0x11a: {  	(v2sf) =	vpush v12, $0x4  }
0x11b: {  	(v2sf) =	vpush v1, $0x5  }
0x11c: {  	(v2sf) =	vpush v12, $0x5  }
0x11d: {  	(v2sf) =	vpush v1, $0x6  }
0x11e: {  	(v2sf) =	vpush v12, $0x6  }
0x11f: {  	(v2sf) =	vpush v1, $0x7  }
0x120: {  	s0 =	spop (v2sf);
	(v2sf) =	vpush v12, $0x7  }
0x121: {  	s1 =	spop (v2sf);
	(v2sf) =	vpush v1, $0x8  }
0x122: {  	s2 =	spop (v2sf);
	(v2sf) =	vpush v12, $0x8  }
0x123: {  	s0 =	sadd.f32 s2, s0;
	s31 =	spop (v2sf);
	(v2sf) =	vpush v1, $0x9  }
0x124: {  	s1 =	sadd.f32 s31, s1;
	s17 =	spop (v2sf);
	(v2sf) =	vpush v12, $0x9  }
0x125: {  	s0 =	sadd.f32 s0, s17;
	s31 =	spop (v2sf);
	(v2sf) =	vpush v1, $0xA  }
0x126: {  	s1 =	sadd.f32 s1, s31;
	s17 =	spop (v2sf);
	(v2sf) =	vpush v12, $0xA  }
0x127: {  	s0 =	sadd.f32 s0, s17;
	s31 =	spop (v2sf);
	(v2sf) =	vpush v1, $0xB  }
0x128: {  	s1 =	sadd.f32 s1, s31;
	s17 =	spop (v2sf);
	(v2sf) =	vpush v12, $0xB  }
0x129: {  	s0 =	sadd.f32 s0, s17;
	s31 =	spop (v2sf);
	(v2sf) =	vpush v1, $0xC  }
0x12a: {  	s1 =	sadd.f32 s1, s31;
	s17 =	spop (v2sf);
	(v2sf) =	vpush v12, $0xC  }
0x12b: {  	s0 =	sadd.f32 s0, s17;
	s31 =	spop (v2sf);
	(v2sf) =	vpush v1, $0xD  }
0x12c: {  	s1 =	sadd.f32 s1, s31;
	s17 =	spop (v2sf);
	(v2sf) =	vpush v12, $0xD  }
0x12d: {  	s0 =	sadd.f32 s0, s17;
	s31 =	spop (v2sf);
	(v2sf) =	vpush v1, $0xE  }
0x12e: {  	s1 =	sadd.f32 s1, s31;
	s17 =	spop (v2sf);
	(v2sf) =	vpush v12, $0xE  }
0x12f: {  	s0 =	sadd.f32 s0, s17;
	s31 =	spop (v2sf);
	(v2sf) =	vpush v1, $0xF  }
0x130: {  	s1 =	sadd.f32 s1, s31;
	s17 =	spop (v2sf)  }
0x131: {  	(v2sf) =	vpush v12, $0xF;
	s0 =	sadd.f32 s0, s17;
	s31 =	spop (v2sf)  }
0x132: {  	s1 =	sadd.f32 s1, s31;
	s17 =	spop (v2sf)  }
0x133: {  	s0 =	sadd.f32 s0, s17;
	s31 =	spop (v2sf)  }
0x134: {  	s1 =	sadd.f32 s1, s31;
	s17 =	spop (v2sf)  }
0x135: {  	s0 =	sadd.f32 s0, s17;
	s31 =	spop (v2sf)  }
0x136: {  	s1 =	sadd.f32 s1, s31;
	s17 =	spop (v2sf)  }
0x137: {  	s0 =	sadd.f32 s0, s17;
	s31 =	spop (v2sf)  }
0x138: {  	s1 =	sadd.f32 s1, s31;
	s17 =	spop (v2sf)  }
0x139: {  	s0 =	sadd.f32 s0, s17;
	s31 =	spop (v2sf)  }
0x13a: {  	s1 =	sadd.f32 s1, s31;
	s17 =	spop (v2sf)  }
0x13b: {  	s0 =	sadd.f32 s0, s17;
	s31 =	spop (v2sf)  }
0x13c: {  	s1 =	sadd.f32 s1, s31;
	s17 =	spop (v2sf)  }
0x13d: {  	s0 =	sadd.f32 s0, s17;
	s31 =	spop (v2sf)  }
0x13e: {  	s1 =	sadd.f32 s1, s31;
	s17 =	spop (v2sf)  }
0x13f: {  	s0 =	sadd.f32 s0, s17  }
0x140: {  	s31 =	spop (v2sf)  }
0x141: {  	s1 =	sadd.f32 s1, s31;
	v1 =	vmov s0  }
0x142: {  	s30 =	sadd.s32 $0x1, s30;
	v1 =	vnsel vm0, $0x0, v1  }
0x143: {  	p0 =	sne.s32 s30, s16;
	v1 =	vsel vm1, s1, v1  }
.Ltmp1:
0x144: {  	[tilespmem:$0x2C80] =	vst v1;
	(pc) =	sbr.rel @p0 .LBB2_1-.Ltmp1, $4  }
0x145: {  	[hbm4b:s15+s3] =	stream.linear.scatter [tilespmem:s28], [sflag:$0x2], $0x80, $0x38;
	[tilespmem:$0x2D00] =	vst v63  }
0x146: {  	_ =	swait.ge [sflag:s29], $0x80  }
0x147: {  	[sflag:s29] =	ssyncset.done $0x0  }
0x148: {  	[sflag:s29] =	ssyncadd.s32 $0xFFFFFF80  }
0x149: {  	_ =	sfence.sel $0x180000  }
0x14a: {  	[bflag:$0x0] =	sbarrier.arrive $0xFFFF  }
0x14b: {  	_ =	strace $0x90000047  }
0x14c: {  	s0 =	stileid.u32;
	[bflag:$0x2] =	sbarrier.arrive $0xFFFF  }
0x14d: {  	p0 =	sne.s32 s0, $0x0;
	s0 =	rddreg [dreg:$0x5]  }
0x14e: {  	s0 =	sadd.s32 @!p0 $0x100000, s0  }
0x14f: {  	[sflag:s0] =	ssyncadd.tile.s32 @!p0 $0x1;
	_ =	shalt  }
.Lfunc_end2:
_tile_overlayer_lowered:
.L_overlay_start_2:
0x150: {  	(tag) =	ssettag $0x2  }
0x151: {  	s0 =	rddreg [dreg:$0x0];
	s2 =	stileid.u32  }
0x152: {  	s1 =	rddreg [dreg:$0x1];
	p0 =	sne.s32 s2, $0x0  }
0x153: {  	s3 =	rddreg [dreg:$0x2];
	[bflag:$0x3] =	sbarrier.arrive $0xFFFF;
	s2 =	simm.s32 @!p0 $0x1C02  }
0x154: {  	[timem:s3], [sflag:s2] =	dma.local @!p0 [hbm:s0], s1  }
0x155: {  	s0 =	simm.s32 @!p0 $0x2  }
0x156: {  	_ =	swait.ge @!p0 [sflag:s0], s1  }
0x157: {  	s1 =	ssub.s32 @!p0 $0x0, s1;
	[sflag:s0] =	ssyncset.done @!p0 $0x0  }
0x158: {  	[sflag:s0] =	ssyncadd.s32 @!p0 s1  }
0x159: {  	[bflag:$0x3] =	sbarrier.arrive $0xFFFF  }
0x15a: {  	_ =	shalt  }

</sc_bundles>
